<compile_context>
chip_gen: v7x
topology: tpu7x:2x2x1
jax: 0.10.2.dev20260603
libtpu: 0.0.44.dev20260713+nightly
codegen_flags: <defaults>
</compile_context>

<pallas_src>
import functools
import math

import jax
import jax.numpy as jnp
from jax import lax
from jax.experimental import pallas as pl
from jax.experimental.pallas import tpu as pltpu
from jax.experimental.pallas import tpu_sc as plsc

VOCAB = 100000
D = 128
BATCH = 4096
SEQ = 50
TOTAL = BATCH * SEQ
NW = 32
ROWS_PER_W = TOTAL // NW
B_PER_W = BATCH // NW
NB = 4
CHUNK = NB * SEQ
GATHER_SPLITS = ((0, 128), (128, 72))
N_CHUNKS = B_PER_W // NB
NBUF = 2
N_GROUPS = N_CHUNKS // NBUF
LANES = 16
SCALE = math.sqrt(D)

_mesh = plsc.VectorSubcoreMesh(core_axis_name="c", subcore_axis_name="s")


@functools.partial(
    pl.kernel,
    out_type=jax.ShapeDtypeStruct((BATCH, SEQ, D), jnp.float32),
    mesh=_mesh,
    scratch_types=[
        pltpu.VMEM((ROWS_PER_W,), jnp.int32),
        pltpu.VMEM((NBUF, CHUNK, D), jnp.float32),
        pltpu.VMEM((NBUF, NB, SEQ, D), jnp.float32),
    ]
    + [pltpu.SemaphoreType.DMA] * (2 * NBUF),
)
def _embed_sc(idx_hbm, table_hbm, out_hbm, idx_v, gbuf, sbuf, *sems):
    gsem = sems[:NBUF]
    ssem = sems[NBUF:]
    wid = lax.axis_index("s") * 2 + lax.axis_index("c")
    base = wid * ROWS_PER_W
    b_base = wid * B_PER_W
    pltpu.sync_copy(idx_hbm.at[pl.ds(base, ROWS_PER_W)], idx_v)

    def gather_descs(c, b):
        return [
            pltpu.make_async_copy(
                table_hbm.at[idx_v.at[pl.ds(c * CHUNK + off, n)]],
                gbuf.at[b, pl.ds(off, n)],
                gsem[b],
            )
            for off, n in GATHER_SPLITS
        ]

    def store_desc(c, b):
        return pltpu.make_async_copy(
            sbuf.at[b], out_hbm.at[pl.ds(b_base + c * NB, NB)], ssem[b])

    for b in range(NBUF):
        for d in gather_descs(b, b):
            d.start()

    def group(g, _):
        for b in range(NBUF):
            c = g * NBUF + b
            for d in gather_descs(c, b):
                d.wait()

            @pl.when(g > 0)
            def _():
                store_desc(c - NBUF, b).wait()

            def scale_seq(s, _):
                for bb in range(NB):
                    for j in range(D // LANES):
                        sl = pl.ds(j * LANES, LANES)
                        sbuf[b, bb, s, sl] = gbuf[b, bb * SEQ + s, sl] * SCALE
                return 0

            lax.fori_loop(0, SEQ, scale_seq, 0)

            @pl.when(c + NBUF < N_CHUNKS)
            def _():
                for d in gather_descs(c + NBUF, b):
                    d.start()

            store_desc(c, b).start()
        return 0

    lax.fori_loop(0, N_GROUPS, group, 0)

    for b in range(NBUF):
        store_desc(N_CHUNKS - NBUF + b, b).wait()


def kernel(input_ids, embed_weight):
    idx = input_ids.reshape(TOTAL).astype(jnp.int32)
    return _embed_sc(idx, embed_weight)

# --- scband reference (transcript-rebuilt; emitter-appended) ---
"""Pipeline reference for scband-byte-embedding-19258633356182 (READ-ONLY COPY).

The authoritative reference and input builder live on the scoring server;
editing this copy changes nothing except your own understanding.
"""

import jax, jax.numpy as jnp
import numpy as np
import math

VOCAB = 100000
MODEL_DIM = 128
TP_SIZE = 1
EMBED_DIM_PER_PARTITION = MODEL_DIM // TP_SIZE
BATCH = 4096
SEQ = 50

def setup_inputs(seed: int = 0) -> dict:
    key = jax.random.key(seed)
    k_idx, k_w = jax.random.split(key)
    input_ids = jax.random.randint(k_idx, (BATCH, SEQ), 0, VOCAB, dtype=jnp.int64 if jax.config.jax_enable_x64 else jnp.int32)
    # Embedding table initialized like nn.init.normal_(std=0.02)
    embed_weight = jax.random.normal(k_w, (VOCAB, EMBED_DIM_PER_PARTITION), dtype=jnp.float32) * 0.02
    return {"input_ids": input_ids, "embed_weight": embed_weight}

def reference(input_ids, embed_weight):
    # x = embedding lookup -> gather rows of table
    x = jnp.take(embed_weight, input_ids, axis=0)  # [B, S, D]
    x = x * math.sqrt(EMBED_DIM_PER_PARTITION)
    return x

if __name__ == "__main__":
    import jax
    _d = setup_inputs()
    print(jax.jit(kernel)(*tuple(_d.values())))

</pallas_src>

<mosaic_0001>
#map = affine_map<(d0, d1) -> (0)>
#map1 = affine_map<(d0, d1) -> (0, 0)>
#map2 = affine_map<(d0, d1) -> (0, 0, 0)>
module attributes {stable_mosaic.version = 14 : i64} {
  func.func @_embed_sc(%arg0: i32, %arg1: i32, %arg2: memref<204800xi32, #tpu.memory_space<hbm>>, %arg3: memref<100000x128xf32, #tpu.memory_space<hbm>>, %arg4: memref<4096x50x128xf32, #tpu.memory_space<hbm>>, %arg5: memref<6400xi32, #tpu.memory_space<vmem>>, %arg6: memref<2x200x128xf32, #tpu.memory_space<vmem>>, %arg7: memref<2x4x50x128xf32, #tpu.memory_space<vmem>>, %arg8: memref<!tpu.dma_semaphore, #tpu.memory_space<semaphore_mem>>, %arg9: memref<!tpu.dma_semaphore, #tpu.memory_space<semaphore_mem>>, %arg10: memref<!tpu.dma_semaphore, #tpu.memory_space<semaphore_mem>>, %arg11: memref<!tpu.dma_semaphore, #tpu.memory_space<semaphore_mem>>) attributes {dimension_semantics = [#tpu.dimension_semantics<core_parallel>, #tpu.dimension_semantics<subcore_parallel>], iteration_bounds = array<i64: 2, 16>, scalar_prefetch = 0 : i64, scratch_operands = 7 : i64, tpu.core_type = #tpu.core_type<sc_vector_subcore>, window_params = [{transform_indices = #map}, {transform_indices = #map1}, {transform_indices = #map2}]} {
    %mul3A = arith.constant 2 : i32
    %mul3A_0 = arith.muli %arg1, %mul3A : i32
    %add3A = arith.addi %mul3A_0, %arg0 : i32
    %mul3A_1 = arith.constant 6400 : i32
    %mul3A_2 = arith.muli %add3A, %mul3A_1 : i32
    %mul3A_3 = arith.constant 128 : i32
    %mul3A_4 = arith.muli %add3A, %mul3A_3 : i32
    "tpu.region"() ({
      %run_scoped3A = tpu.sem_alloc : memref<!tpu.dma_semaphore, #tpu.memory_space<semaphore_mem>>
      %dma_start3A_87 = tpu.memref_slice %arg2[%mul3A_2] : memref<204800xi32, #tpu.memory_space<hbm>> -> memref<6400xi32, #tpu.memory_space<hbm>>
      %dma_start3A_88 = tpu.memref_slice %arg2[%mul3A_2] : memref<204800xi32, #tpu.memory_space<hbm>> -> memref<6400xi32, #tpu.memory_space<hbm>>
      tpu.enqueue_dma source(%dma_start3A_88 : memref<6400xi32, #tpu.memory_space<hbm>>) target(%arg5 : memref<6400xi32, #tpu.memory_space<vmem>>) target_semaphore(%run_scoped3A : memref<!tpu.dma_semaphore, #tpu.memory_space<semaphore_mem>>)
      %dma_wait3A_89 = tpu.memref_slice %arg2[%mul3A_2] : memref<204800xi32, #tpu.memory_space<hbm>> -> memref<6400xi32, #tpu.memory_space<hbm>>
      %dma_wait3A_90 = tpu.memref_slice %arg2[%mul3A_2] : memref<204800xi32, #tpu.memory_space<hbm>> -> memref<6400xi32, #tpu.memory_space<hbm>>
      tpu.wait_dma2 semaphore(%run_scoped3A : memref<!tpu.dma_semaphore, #tpu.memory_space<semaphore_mem>>) src(%dma_wait3A_90 : memref<6400xi32, #tpu.memory_space<hbm>>) dst(%arg5 : memref<6400xi32, #tpu.memory_space<vmem>>)
      tpu.yield
    }) : () -> ()
    %dma_start3A = arith.constant 0 : i32
    %dma_start3A_5 = arith.constant 0 : i32
    %dma_start3A_6 = arith.constant 0 : i32
    %dma_start3A_7 = tpu.memref_slice %arg6[%dma_start3A, %dma_start3A_5, %dma_start3A_6] : memref<2x200x128xf32, #tpu.memory_space<vmem>> -> memref<1x128x128xf32, #tpu.memory_space<vmem>>
    %dma_start3A_8 = tpu.memref_squeeze %dma_start3A_7 : memref<1x128x128xf32, #tpu.memory_space<vmem>> -> memref<128x128xf32, #tpu.memory_space<vmem>>
    %dma_start3A_9 = arith.constant 0 : i32
    %dma_start3A_10 = tpu.memref_slice %arg5[%dma_start3A_9] : memref<6400xi32, #tpu.memory_space<vmem>> -> memref<128xi32, #tpu.memory_space<vmem>>
    %dma_start3A_11 = arith.constant 0 : i32
    %dma_start3A_12 = arith.constant 0 : i32
    %dma_start3A_13 = tpu.memref_slice %arg3[%dma_start3A_11, %dma_start3A_12] : memref<100000x128xf32, #tpu.memory_space<hbm>> -> memref<100000x128xf32, #tpu.memory_space<hbm>>
    tpu.enqueue_indirect_dma source(%dma_start3A_13 : memref<100000x128xf32, #tpu.memory_space<hbm>>) target(%dma_start3A_8 : memref<128x128xf32, #tpu.memory_space<vmem>>) offsets(%dma_start3A_10 : memref<128xi32, #tpu.memory_space<vmem>>) semaphore(%arg8 : memref<!tpu.dma_semaphore, #tpu.memory_space<semaphore_mem>>)
    %dma_start3A_14 = arith.constant 0 : i32
    %dma_start3A_15 = arith.constant 128 : i32
    %dma_start3A_16 = arith.constant 0 : i32
    %dma_start3A_17 = tpu.memref_slice %arg6[%dma_start3A_14, %dma_start3A_15, %dma_start3A_16] : memref<2x200x128xf32, #tpu.memory_space<vmem>> -> memref<1x72x128xf32, #tpu.memory_space<vmem>>
    %dma_start3A_18 = tpu.memref_squeeze %dma_start3A_17 : memref<1x72x128xf32, #tpu.memory_space<vmem>> -> memref<72x128xf32, #tpu.memory_space<vmem>>
    %dma_start3A_19 = arith.constant 128 : i32
    %dma_start3A_20 = tpu.memref_slice %arg5[%dma_start3A_19] : memref<6400xi32, #tpu.memory_space<vmem>> -> memref<72xi32, #tpu.memory_space<vmem>>
    %dma_start3A_21 = arith.constant 0 : i32
    %dma_start3A_22 = arith.constant 0 : i32
    %dma_start3A_23 = tpu.memref_slice %arg3[%dma_start3A_21, %dma_start3A_22] : memref<100000x128xf32, #tpu.memory_space<hbm>> -> memref<100000x128xf32, #tpu.memory_space<hbm>>
    tpu.enqueue_indirect_dma source(%dma_start3A_23 : memref<100000x128xf32, #tpu.memory_space<hbm>>) target(%dma_start3A_18 : memref<72x128xf32, #tpu.memory_space<vmem>>) offsets(%dma_start3A_20 : memref<72xi32, #tpu.memory_space<vmem>>) semaphore(%arg8 : memref<!tpu.dma_semaphore, #tpu.memory_space<semaphore_mem>>)
    %dma_start3A_24 = arith.constant 1 : i32
    %dma_start3A_25 = arith.constant 0 : i32
    %dma_start3A_26 = arith.constant 0 : i32
    %dma_start3A_27 = tpu.memref_slice %arg6[%dma_start3A_24, %dma_start3A_25, %dma_start3A_26] : memref<2x200x128xf32, #tpu.memory_space<vmem>> -> memref<1x128x128xf32, #tpu.memory_space<vmem>>
    %dma_start3A_28 = tpu.memref_squeeze %dma_start3A_27 : memref<1x128x128xf32, #tpu.memory_space<vmem>> -> memref<128x128xf32, #tpu.memory_space<vmem>>
    %dma_start3A_29 = arith.constant 200 : i32
    %dma_start3A_30 = tpu.memref_slice %arg5[%dma_start3A_29] : memref<6400xi32, #tpu.memory_space<vmem>> -> memref<128xi32, #tpu.memory_space<vmem>>
    %dma_start3A_31 = arith.constant 0 : i32
    %dma_start3A_32 = arith.constant 0 : i32
    %dma_start3A_33 = tpu.memref_slice %arg3[%dma_start3A_31, %dma_start3A_32] : memref<100000x128xf32, #tpu.memory_space<hbm>> -> memref<100000x128xf32, #tpu.memory_space<hbm>>
    tpu.enqueue_indirect_dma source(%dma_start3A_33 : memref<100000x128xf32, #tpu.memory_space<hbm>>) target(%dma_start3A_28 : memref<128x128xf32, #tpu.memory_space<vmem>>) offsets(%dma_start3A_30 : memref<128xi32, #tpu.memory_space<vmem>>) semaphore(%arg9 : memref<!tpu.dma_semaphore, #tpu.memory_space<semaphore_mem>>)
    %dma_start3A_34 = arith.constant 1 : i32
    %dma_start3A_35 = arith.constant 128 : i32
    %dma_start3A_36 = arith.constant 0 : i32
    %dma_start3A_37 = tpu.memref_slice %arg6[%dma_start3A_34, %dma_start3A_35, %dma_start3A_36] : memref<2x200x128xf32, #tpu.memory_space<vmem>> -> memref<1x72x128xf32, #tpu.memory_space<vmem>>
    %dma_start3A_38 = tpu.memref_squeeze %dma_start3A_37 : memref<1x72x128xf32, #tpu.memory_space<vmem>> -> memref<72x128xf32, #tpu.memory_space<vmem>>
    %dma_start3A_39 = arith.constant 328 : i32
    %dma_start3A_40 = tpu.memref_slice %arg5[%dma_start3A_39] : memref<6400xi32, #tpu.memory_space<vmem>> -> memref<72xi32, #tpu.memory_space<vmem>>
    %dma_start3A_41 = arith.constant 0 : i32
    %dma_start3A_42 = arith.constant 0 : i32
    %dma_start3A_43 = tpu.memref_slice %arg3[%dma_start3A_41, %dma_start3A_42] : memref<100000x128xf32, #tpu.memory_space<hbm>> -> memref<100000x128xf32, #tpu.memory_space<hbm>>
    tpu.enqueue_indirect_dma source(%dma_start3A_43 : memref<100000x128xf32, #tpu.memory_space<hbm>>) target(%dma_start3A_38 : memref<72x128xf32, #tpu.memory_space<vmem>>) offsets(%dma_start3A_40 : memref<72xi32, #tpu.memory_space<vmem>>) semaphore(%arg9 : memref<!tpu.dma_semaphore, #tpu.memory_space<semaphore_mem>>)
    %scan3A = arith.constant 0 : i32
    %scan3A_44 = arith.constant 0 : i32
    %scan3A_45 = arith.constant 16 : i32
    %scan3A_46 = arith.addi %scan3A_44, %scan3A_45 : i32
    %scan3A_47 = arith.constant 1 : i32
    %scan3A_48 = scf.for %scan3A_87 = %scan3A_44 to %scan3A_46 step %scan3A_47 iter_args(%scan3A_88 = %scan3A) -> (i32)  : i32 {
      %mul3A_89 = arith.constant 2 : i32
      %mul3A_90 = arith.muli %scan3A_87, %mul3A_89 : i32
      %add3A_91 = arith.constant 0 : i32
      %add3A_92 = arith.addi %mul3A_90, %add3A_91 : i32
      %mul3A_93 = arith.constant 200 : i32
      %mul3A_94 = arith.muli %add3A_92, %mul3A_93 : i32
      %add3A_95 = arith.constant 0 : i32
      %add3A_96 = arith.addi %mul3A_94, %add3A_95 : i32
      %mul3A_97 = arith.constant 200 : i32
      %mul3A_98 = arith.muli %add3A_92, %mul3A_97 : i32
      %add3A_99 = arith.constant 128 : i32
      %add3A_100 = arith.addi %mul3A_98, %add3A_99 : i32
      %dma_wait3A_101 = arith.constant 0 : i32
      %dma_wait3A_102 = arith.constant 0 : i32
      %dma_wait3A_103 = arith.constant 0 : i32
      %dma_wait3A_104 = tpu.memref_slice %arg6[%dma_wait3A_101, %dma_wait3A_102, %dma_wait3A_103] : memref<2x200x128xf32, #tpu.memory_space<vmem>> -> memref<1x128x128xf32, #tpu.memory_space<vmem>>
      %dma_wait3A_105 = tpu.memref_squeeze %dma_wait3A_104 : memref<1x128x128xf32, #tpu.memory_space<vmem>> -> memref<128x128xf32, #tpu.memory_space<vmem>>
      %dma_wait3A_106 = tpu.memref_slice %arg5[%add3A_96] : memref<6400xi32, #tpu.memory_space<vmem>> -> memref<128xi32, #tpu.memory_space<vmem>>
      %dma_wait3A_107 = arith.constant 0 : i32
      %dma_wait3A_108 = arith.constant 0 : i32
      %dma_wait3A_109 = tpu.memref_slice %arg3[%dma_wait3A_107, %dma_wait3A_108] : memref<100000x128xf32, #tpu.memory_space<hbm>> -> memref<100000x128xf32, #tpu.memory_space<hbm>>
      tpu.wait_indirect_dma semaphore(%arg8 : memref<!tpu.dma_semaphore, #tpu.memory_space<semaphore_mem>>) src(%dma_wait3A_109 : memref<100000x128xf32, #tpu.memory_space<hbm>>) dst(%dma_wait3A_105 : memref<128x128xf32, #tpu.memory_space<vmem>>)
      %dma_wait3A_110 = arith.constant 0 : i32
      %dma_wait3A_111 = arith.constant 128 : i32
      %dma_wait3A_112 = arith.constant 0 : i32
      %dma_wait3A_113 = tpu.memref_slice %arg6[%dma_wait3A_110, %dma_wait3A_111, %dma_wait3A_112] : memref<2x200x128xf32, #tpu.memory_space<vmem>> -> memref<1x72x128xf32, #tpu.memory_space<vmem>>
      %dma_wait3A_114 = tpu.memref_squeeze %dma_wait3A_113 : memref<1x72x128xf32, #tpu.memory_space<vmem>> -> memref<72x128xf32, #tpu.memory_space<vmem>>
      %dma_wait3A_115 = tpu.memref_slice %arg5[%add3A_100] : memref<6400xi32, #tpu.memory_space<vmem>> -> memref<72xi32, #tpu.memory_space<vmem>>
      %dma_wait3A_116 = arith.constant 0 : i32
      %dma_wait3A_117 = arith.constant 0 : i32
      %dma_wait3A_118 = tpu.memref_slice %arg3[%dma_wait3A_116, %dma_wait3A_117] : memref<100000x128xf32, #tpu.memory_space<hbm>> -> memref<100000x128xf32, #tpu.memory_space<hbm>>
      tpu.wait_indirect_dma semaphore(%arg8 : memref<!tpu.dma_semaphore, #tpu.memory_space<semaphore_mem>>) src(%dma_wait3A_118 : memref<100000x128xf32, #tpu.memory_space<hbm>>) dst(%dma_wait3A_114 : memref<72x128xf32, #tpu.memory_space<vmem>>)
      %gt3A = arith.constant 0 : i32
      %gt3A_119 = arith.cmpi sgt, %scan3A_87, %gt3A : i32
      %convert_element_type3A = arith.extui %gt3A_119 : i1 to i32
      %cond3A = arith.constant 0 : i32
      %cond3A_120 = arith.cmpi ne, %convert_element_type3A, %cond3A : i32
      scf.if %cond3A_120 {
        %sub3A = arith.constant 2 : i32
        %sub3A_224 = arith.subi %add3A_92, %sub3A : i32
        %mul3A_225 = arith.constant 4 : i32
        %mul3A_226 = arith.muli %sub3A_224, %mul3A_225 : i32
        %add3A_227 = arith.addi %mul3A_4, %mul3A_226 : i32
        %dma_wait3A_228 = arith.constant 0 : i32
        %dma_wait3A_229 = arith.constant 0 : i32
        %dma_wait3A_230 = arith.constant 0 : i32
        %dma_wait3A_231 = arith.constant 0 : i32
        %dma_wait3A_232 = tpu.memref_slice %arg7[%dma_wait3A_228, %dma_wait3A_229, %dma_wait3A_230, %dma_wait3A_231] : memref<2x4x50x128xf32, #tpu.memory_space<vmem>> -> memref<1x4x50x128xf32, #tpu.memory_space<vmem>>
        %dma_wait3A_233 = tpu.memref_squeeze %dma_wait3A_232 : memref<1x4x50x128xf32, #tpu.memory_space<vmem>> -> memref<4x50x128xf32, #tpu.memory_space<vmem>>
        %dma_wait3A_234 = arith.constant 0 : i32
        %dma_wait3A_235 = arith.constant 0 : i32
        %dma_wait3A_236 = tpu.memref_slice %arg4[%add3A_227, %dma_wait3A_234, %dma_wait3A_235] : memref<4096x50x128xf32, #tpu.memory_space<hbm>> -> memref<4x50x128xf32, #tpu.memory_space<hbm>>
        %dma_wait3A_237 = arith.constant 0 : i32
        %dma_wait3A_238 = arith.constant 0 : i32
        %dma_wait3A_239 = tpu.memref_slice %arg4[%add3A_227, %dma_wait3A_237, %dma_wait3A_238] : memref<4096x50x128xf32, #tpu.memory_space<hbm>> -> memref<4x50x128xf32, #tpu.memory_space<hbm>>
        %dma_wait3A_240 = arith.constant 0 : i32
        %dma_wait3A_241 = arith.constant 0 : i32
        %dma_wait3A_242 = arith.constant 0 : i32
        %dma_wait3A_243 = tpu.memref_slice %arg7[%dma_wait3A_228, %dma_wait3A_240, %dma_wait3A_241, %dma_wait3A_242] : memref<2x4x50x128xf32, #tpu.memory_space<vmem>> -> memref<1x4x50x128xf32, #tpu.memory_space<vmem>>
        %dma_wait3A_244 = tpu.memref_squeeze %dma_wait3A_243 : memref<1x4x50x128xf32, #tpu.memory_space<vmem>> -> memref<4x50x128xf32, #tpu.memory_space<vmem>>
        tpu.wait_dma2 semaphore(%arg10 : memref<!tpu.dma_semaphore, #tpu.memory_space<semaphore_mem>>) src(%dma_wait3A_244 : memref<4x50x128xf32, #tpu.memory_space<vmem>>) dst(%dma_wait3A_239 : memref<4x50x128xf32, #tpu.memory_space<hbm>>)
      } else {
      }
      %scan3A_121 = arith.constant 0 : i32
      %scan3A_122 = arith.constant 0 : i32
      %scan3A_123 = arith.constant 50 : i32
      %scan3A_124 = arith.addi %scan3A_122, %scan3A_123 : i32
      %scan3A_125 = arith.constant 1 : i32
      %scan3A_126 = scf.for %scan3A_224 = %scan3A_122 to %scan3A_124 step %scan3A_125 iter_args(%scan3A_225 = %scan3A_121) -> (i32)  : i32 {
        %add3A_226 = arith.constant 0 : i32
        %add3A_227 = arith.addi %add3A_226, %scan3A_224 : i32
        %get3A = arith.constant 0 : i32
        %get3A_228 = arith.index_cast %get3A : i32 to index
        %get3A_229 = arith.index_cast %add3A_227 : i32 to index
        %get3A_230 = arith.constant 0 : index
        %get3A_231 = tpu.vector_load %arg6[%get3A_228, %get3A_229, %get3A_230] {strides = array<i32>} : memref<2x200x128xf32, #tpu.memory_space<vmem>>, vector<1x1x16xf32>,
        %get3A_232 = vector.shape_cast %get3A_231 : vector<1x1x16xf32> to vector<16xf32>
        %mul3A_233 = arith.constant 11.3137083 : f32
        %mul3A_234 = vector.broadcast %mul3A_233 : f32 to vector<16xf32>
        %mul3A_235 = arith.mulf %get3A_232, %mul3A_234 : vector<16xf32>
        %swap3A = arith.constant 0 : i32
        %swap3A_236 = arith.constant 0 : i32
        %swap3A_237 = arith.index_cast %swap3A : i32 to index
        %swap3A_238 = arith.index_cast %swap3A_236 : i32 to index
        %swap3A_239 = arith.index_cast %scan3A_224 : i32 to index
        %swap3A_240 = arith.constant 0 : index
        %swap3A_241 = tpu.vector_load %arg7[%swap3A_237, %swap3A_238, %swap3A_239, %swap3A_240] {strides = array<i32>} : memref<2x4x50x128xf32, #tpu.memory_space<vmem>>, vector<1x1x1x16xf32>,
        %swap3A_242 = vector.shape_cast %swap3A_241 : vector<1x1x1x16xf32> to vector<16xf32>
        %swap3A_243 = vector.shape_cast %mul3A_235 : vector<16xf32> to vector<1x1x1x16xf32>
        tpu.vector_store %arg7[%swap3A_237, %swap3A_238, %swap3A_239, %swap3A_240], %swap3A_243 {strides = array<i32>} : memref<2x4x50x128xf32, #tpu.memory_space<vmem>>, vector<1x1x1x16xf32>,
        %add3A_244 = arith.constant 0 : i32
        %add3A_245 = arith.addi %add3A_244, %scan3A_224 : i32
        %get3A_246 = arith.constant 0 : i32
        %get3A_247 = arith.index_cast %get3A_246 : i32 to index
        %get3A_248 = arith.index_cast %add3A_245 : i32 to index
        %get3A_249 = arith.constant 16 : index
        %get3A_250 = tpu.vector_load %arg6[%get3A_247, %get3A_248, %get3A_249] {strides = array<i32>} : memref<2x200x128xf32, #tpu.memory_space<vmem>>, vector<1x1x16xf32>,
        %get3A_251 = vector.shape_cast %get3A_250 : vector<1x1x16xf32> to vector<16xf32>
        %mul3A_252 = arith.constant 11.3137083 : f32
        %mul3A_253 = vector.broadcast %mul3A_252 : f32 to vector<16xf32>
        %mul3A_254 = arith.mulf %get3A_251, %mul3A_253 : vector<16xf32>
        %swap3A_255 = arith.constant 0 : i32
        %swap3A_256 = arith.constant 0 : i32
        %swap3A_257 = arith.index_cast %swap3A_255 : i32 to index
        %swap3A_258 = arith.index_cast %swap3A_256 : i32 to index
        %swap3A_259 = arith.index_cast %scan3A_224 : i32 to index
        %swap3A_260 = arith.constant 16 : index
        %swap3A_261 = tpu.vector_load %arg7[%swap3A_257, %swap3A_258, %swap3A_259, %swap3A_260] {strides = array<i32>} : memref<2x4x50x128xf32, #tpu.memory_space<vmem>>, vector<1x1x1x16xf32>,
        %swap3A_262 = vector.shape_cast %swap3A_261 : vector<1x1x1x16xf32> to vector<16xf32>
        %swap3A_263 = vector.shape_cast %mul3A_254 : vector<16xf32> to vector<1x1x1x16xf32>
        tpu.vector_store %arg7[%swap3A_257, %swap3A_258, %swap3A_259, %swap3A_260], %swap3A_263 {strides = array<i32>} : memref<2x4x50x128xf32, #tpu.memory_space<vmem>>, vector<1x1x1x16xf32>,
        %add3A_264 = arith.constant 0 : i32
        %add3A_265 = arith.addi %add3A_264, %scan3A_224 : i32
        %get3A_266 = arith.constant 0 : i32
        %get3A_267 = arith.index_cast %get3A_266 : i32 to index
        %get3A_268 = arith.index_cast %add3A_265 : i32 to index
        %get3A_269 = arith.constant 32 : index
        %get3A_270 = tpu.vector_load %arg6[%get3A_267, %get3A_268, %get3A_269] {strides = array<i32>} : memref<2x200x128xf32, #tpu.memory_space<vmem>>, vector<1x1x16xf32>,
        %get3A_271 = vector.shape_cast %get3A_270 : vector<1x1x16xf32> to vector<16xf32>
        %mul3A_272 = arith.constant 11.3137083 : f32
        %mul3A_273 = vector.broadcast %mul3A_272 : f32 to vector<16xf32>
        %mul3A_274 = arith.mulf %get3A_271, %mul3A_273 : vector<16xf32>
        %swap3A_275 = arith.constant 0 : i32
        %swap3A_276 = arith.constant 0 : i32
        %swap3A_277 = arith.index_cast %swap3A_275 : i32 to index
        %swap3A_278 = arith.index_cast %swap3A_276 : i32 to index
        %swap3A_279 = arith.index_cast %scan3A_224 : i32 to index
        %swap3A_280 = arith.constant 32 : index
        %swap3A_281 = tpu.vector_load %arg7[%swap3A_277, %swap3A_278, %swap3A_279, %swap3A_280] {strides = array<i32>} : memref<2x4x50x128xf32, #tpu.memory_space<vmem>>, vector<1x1x1x16xf32>,
        %swap3A_282 = vector.shape_cast %swap3A_281 : vector<1x1x1x16xf32> to vector<16xf32>
        %swap3A_283 = vector.shape_cast %mul3A_274 : vector<16xf32> to vector<1x1x1x16xf32>
        tpu.vector_store %arg7[%swap3A_277, %swap3A_278, %swap3A_279, %swap3A_280], %swap3A_283 {strides = array<i32>} : memref<2x4x50x128xf32, #tpu.memory_space<vmem>>, vector<1x1x1x16xf32>,
        %add3A_284 = arith.constant 0 : i32
        %add3A_285 = arith.addi %add3A_284, %scan3A_224 : i32
        %get3A_286 = arith.constant 0 : i32
        %get3A_287 = arith.index_cast %get3A_286 : i32 to index
        %get3A_288 = arith.index_cast %add3A_285 : i32 to index
        %get3A_289 = arith.constant 48 : index
        %get3A_290 = tpu.vector_load %arg6[%get3A_287, %get3A_288, %get3A_289] {strides = array<i32>} : memref<2x200x128xf32, #tpu.memory_space<vmem>>, vector<1x1x16xf32>,
        %get3A_291 = vector.shape_cast %get3A_290 : vector<1x1x16xf32> to vector<16xf32>
        %mul3A_292 = arith.constant 11.3137083 : f32
        %mul3A_293 = vector.broadcast %mul3A_292 : f32 to vector<16xf32>
        %mul3A_294 = arith.mulf %get3A_291, %mul3A_293 : vector<16xf32>
        %swap3A_295 = arith.constant 0 : i32
        %swap3A_296 = arith.constant 0 : i32
        %swap3A_297 = arith.index_cast %swap3A_295 : i32 to index
        %swap3A_298 = arith.index_cast %swap3A_296 : i32 to index
        %swap3A_299 = arith.index_cast %scan3A_224 : i32 to index
        %swap3A_300 = arith.constant 48 : index
        %swap3A_301 = tpu.vector_load %arg7[%swap3A_297, %swap3A_298, %swap3A_299, %swap3A_300] {strides = array<i32>} : memref<2x4x50x128xf32, #tpu.memory_space<vmem>>, vector<1x1x1x16xf32>,
        %swap3A_302 = vector.shape_cast %swap3A_301 : vector<1x1x1x16xf32> to vector<16xf32>
        %swap3A_303 = vector.shape_cast %mul3A_294 : vector<16xf32> to vector<1x1x1x16xf32>
        tpu.vector_store %arg7[%swap3A_297, %swap3A_298, %swap3A_299, %swap3A_300], %swap3A_303 {strides = array<i32>} : memref<2x4x50x128xf32, #tpu.memory_space<vmem>>, vector<1x1x1x16xf32>,
        %add3A_304 = arith.constant 0 : i32
        %add3A_305 = arith.addi %add3A_304, %scan3A_224 : i32
        %get3A_306 = arith.constant 0 : i32
        %get3A_307 = arith.index_cast %get3A_306 : i32 to index
        %get3A_308 = arith.index_cast %add3A_305 : i32 to index
        %get3A_309 = arith.constant 64 : index
        %get3A_310 = tpu.vector_load %arg6[%get3A_307, %get3A_308, %get3A_309] {strides = array<i32>} : memref<2x200x128xf32, #tpu.memory_space<vmem>>, vector<1x1x16xf32>,
        %get3A_311 = vector.shape_cast %get3A_310 : vector<1x1x16xf32> to vector<16xf32>
        %mul3A_312 = arith.constant 11.3137083 : f32
        %mul3A_313 = vector.broadcast %mul3A_312 : f32 to vector<16xf32>
        %mul3A_314 = arith.mulf %get3A_311, %mul3A_313 : vector<16xf32>
        %swap3A_315 = arith.constant 0 : i32
        %swap3A_316 = arith.constant 0 : i32
        %swap3A_317 = arith.index_cast %swap3A_315 : i32 to index
        %swap3A_318 = arith.index_cast %swap3A_316 : i32 to index
        %swap3A_319 = arith.index_cast %scan3A_224 : i32 to index
        %swap3A_320 = arith.constant 64 : index
        %swap3A_321 = tpu.vector_load %arg7[%swap3A_317, %swap3A_318, %swap3A_319, %swap3A_320] {strides = array<i32>} : memref<2x4x50x128xf32, #tpu.memory_space<vmem>>, vector<1x1x1x16xf32>,
        %swap3A_322 = vector.shape_cast %swap3A_321 : vector<1x1x1x16xf32> to vector<16xf32>
        %swap3A_323 = vector.shape_cast %mul3A_314 : vector<16xf32> to vector<1x1x1x16xf32>
        tpu.vector_store %arg7[%swap3A_317, %swap3A_318, %swap3A_319, %swap3A_320], %swap3A_323 {strides = array<i32>} : memref<2x4x50x128xf32, #tpu.memory_space<vmem>>, vector<1x1x1x16xf32>,
        %add3A_324 = arith.constant 0 : i32
        %add3A_325 = arith.addi %add3A_324, %scan3A_224 : i32
        %get3A_326 = arith.constant 0 : i32
        %get3A_327 = arith.index_cast %get3A_326 : i32 to index
        %get3A_328 = arith.index_cast %add3A_325 : i32 to index
        %get3A_329 = arith.constant 80 : index
        %get3A_330 = tpu.vector_load %arg6[%get3A_327, %get3A_328, %get3A_329] {strides = array<i32>} : memref<2x200x128xf32, #tpu.memory_space<vmem>>, vector<1x1x16xf32>,
        %get3A_331 = vector.shape_cast %get3A_330 : vector<1x1x16xf32> to vector<16xf32>
        %mul3A_332 = arith.constant 11.3137083 : f32
        %mul3A_333 = vector.broadcast %mul3A_332 : f32 to vector<16xf32>
        %mul3A_334 = arith.mulf %get3A_331, %mul3A_333 : vector<16xf32>
        %swap3A_335 = arith.constant 0 : i32
        %swap3A_336 = arith.constant 0 : i32
        %swap3A_337 = arith.index_cast %swap3A_335 : i32 to index
        %swap3A_338 = arith.index_cast %swap3A_336 : i32 to index
        %swap3A_339 = arith.index_cast %scan3A_224 : i32 to index
        %swap3A_340 = arith.constant 80 : index
        %swap3A_341 = tpu.vector_load %arg7[%swap3A_337, %swap3A_338, %swap3A_339, %swap3A_340] {strides = array<i32>} : memref<2x4x50x128xf32, #tpu.memory_space<vmem>>, vector<1x1x1x16xf32>,
        %swap3A_342 = vector.shape_cast %swap3A_341 : vector<1x1x1x16xf32> to vector<16xf32>
        %swap3A_343 = vector.shape_cast %mul3A_334 : vector<16xf32> to vector<1x1x1x16xf32>
        tpu.vector_store %arg7[%swap3A_337, %swap3A_338, %swap3A_339, %swap3A_340], %swap3A_343 {strides = array<i32>} : memref<2x4x50x128xf32, #tpu.memory_space<vmem>>, vector<1x1x1x16xf32>,
        %add3A_344 = arith.constant 0 : i32
        %add3A_345 = arith.addi %add3A_344, %scan3A_224 : i32
        %get3A_346 = arith.constant 0 : i32
        %get3A_347 = arith.index_cast %get3A_346 : i32 to index
        %get3A_348 = arith.index_cast %add3A_345 : i32 to index
        %get3A_349 = arith.constant 96 : index
        %get3A_350 = tpu.vector_load %arg6[%get3A_347, %get3A_348, %get3A_349] {strides = array<i32>} : memref<2x200x128xf32, #tpu.memory_space<vmem>>, vector<1x1x16xf32>,
        %get3A_351 = vector.shape_cast %get3A_350 : vector<1x1x16xf32> to vector<16xf32>
        %mul3A_352 = arith.constant 11.3137083 : f32
        %mul3A_353 = vector.broadcast %mul3A_352 : f32 to vector<16xf32>
        %mul3A_354 = arith.mulf %get3A_351, %mul3A_353 : vector<16xf32>
        %swap3A_355 = arith.constant 0 : i32
        %swap3A_356 = arith.constant 0 : i32
        %swap3A_357 = arith.index_cast %swap3A_355 : i32 to index
        %swap3A_358 = arith.index_cast %swap3A_356 : i32 to index
        %swap3A_359 = arith.index_cast %scan3A_224 : i32 to index
        %swap3A_360 = arith.constant 96 : index
        %swap3A_361 = tpu.vector_load %arg7[%swap3A_357, %swap3A_358, %swap3A_359, %swap3A_360] {strides = array<i32>} : memref<2x4x50x128xf32, #tpu.memory_space<vmem>>, vector<1x1x1x16xf32>,
        %swap3A_362 = vector.shape_cast %swap3A_361 : vector<1x1x1x16xf32> to vector<16xf32>
        %swap3A_363 = vector.shape_cast %mul3A_354 : vector<16xf32> to vector<1x1x1x16xf32>
        tpu.vector_store %arg7[%swap3A_357, %swap3A_358, %swap3A_359, %swap3A_360], %swap3A_363 {strides = array<i32>} : memref<2x4x50x128xf32, #tpu.memory_space<vmem>>, vector<1x1x1x16xf32>,
        %add3A_364 = arith.constant 0 : i32
        %add3A_365 = arith.addi %add3A_364, %scan3A_224 : i32
        %get3A_366 = arith.constant 0 : i32
        %get3A_367 = arith.index_cast %get3A_366 : i32 to index
        %get3A_368 = arith.index_cast %add3A_365 : i32 to index
        %get3A_369 = arith.constant 112 : index
        %get3A_370 = tpu.vector_load %arg6[%get3A_367, %get3A_368, %get3A_369] {strides = array<i32>} : memref<2x200x128xf32, #tpu.memory_space<vmem>>, vector<1x1x16xf32>,
        %get3A_371 = vector.shape_cast %get3A_370 : vector<1x1x16xf32> to vector<16xf32>
        %mul3A_372 = arith.constant 11.3137083 : f32
        %mul3A_373 = vector.broadcast %mul3A_372 : f32 to vector<16xf32>
        %mul3A_374 = arith.mulf %get3A_371, %mul3A_373 : vector<16xf32>
        %swap3A_375 = arith.constant 0 : i32
        %swap3A_376 = arith.constant 0 : i32
        %swap3A_377 = arith.index_cast %swap3A_375 : i32 to index
        %swap3A_378 = arith.index_cast %swap3A_376 : i32 to index
        %swap3A_379 = arith.index_cast %scan3A_224 : i32 to index
        %swap3A_380 = arith.constant 112 : index
        %swap3A_381 = tpu.vector_load %arg7[%swap3A_377, %swap3A_378, %swap3A_379, %swap3A_380] {strides = array<i32>} : memref<2x4x50x128xf32, #tpu.memory_space<vmem>>, vector<1x1x1x16xf32>,
        %swap3A_382 = vector.shape_cast %swap3A_381 : vector<1x1x1x16xf32> to vector<16xf32>
        %swap3A_383 = vector.shape_cast %mul3A_374 : vector<16xf32> to vector<1x1x1x16xf32>
        tpu.vector_store %arg7[%swap3A_377, %swap3A_378, %swap3A_379, %swap3A_380], %swap3A_383 {strides = array<i32>} : memref<2x4x50x128xf32, #tpu.memory_space<vmem>>, vector<1x1x1x16xf32>,
        %add3A_384 = arith.constant 50 : i32
        %add3A_385 = arith.addi %add3A_384, %scan3A_224 : i32
        %get3A_386 = arith.constant 0 : i32
        %get3A_387 = arith.index_cast %get3A_386 : i32 to index
        %get3A_388 = arith.index_cast %add3A_385 : i32 to index
        %get3A_389 = arith.constant 0 : index
        %get3A_390 = tpu.vector_load %arg6[%get3A_387, %get3A_388, %get3A_389] {strides = array<i32>} : memref<2x200x128xf32, #tpu.memory_space<vmem>>, vector<1x1x16xf32>,
        %get3A_391 = vector.shape_cast %get3A_390 : vector<1x1x16xf32> to vector<16xf32>
        %mul3A_392 = arith.constant 11.3137083 : f32
        %mul3A_393 = vector.broadcast %mul3A_392 : f32 to vector<16xf32>
        %mul3A_394 = arith.mulf %get3A_391, %mul3A_393 : vector<16xf32>
        %swap3A_395 = arith.constant 0 : i32
        %swap3A_396 = arith.constant 1 : i32
        %swap3A_397 = arith.index_cast %swap3A_395 : i32 to index
        %swap3A_398 = arith.index_cast %swap3A_396 : i32 to index
        %swap3A_399 = arith.index_cast %scan3A_224 : i32 to index
        %swap3A_400 = arith.constant 0 : index
        %swap3A_401 = tpu.vector_load %arg7[%swap3A_397, %swap3A_398, %swap3A_399, %swap3A_400] {strides = array<i32>} : memref<2x4x50x128xf32, #tpu.memory_space<vmem>>, vector<1x1x1x16xf32>,
        %swap3A_402 = vector.shape_cast %swap3A_401 : vector<1x1x1x16xf32> to vector<16xf32>
        %swap3A_403 = vector.shape_cast %mul3A_394 : vector<16xf32> to vector<1x1x1x16xf32>
        tpu.vector_store %arg7[%swap3A_397, %swap3A_398, %swap3A_399, %swap3A_400], %swap3A_403 {strides = array<i32>} : memref<2x4x50x128xf32, #tpu.memory_space<vmem>>, vector<1x1x1x16xf32>,
        %add3A_404 = arith.constant 50 : i32
        %add3A_405 = arith.addi %add3A_404, %scan3A_224 : i32
        %get3A_406 = arith.constant 0 : i32
        %get3A_407 = arith.index_cast %get3A_406 : i32 to index
        %get3A_408 = arith.index_cast %add3A_405 : i32 to index
        %get3A_409 = arith.constant 16 : index
        %get3A_410 = tpu.vector_load %arg6[%get3A_407, %get3A_408, %get3A_409] {strides = array<i32>} : memref<2x200x128xf32, #tpu.memory_space<vmem>>, vector<1x1x16xf32>,
        %get3A_411 = vector.shape_cast %get3A_410 : vector<1x1x16xf32> to vector<16xf32>
        %mul3A_412 = arith.constant 11.3137083 : f32
        %mul3A_413 = vector.broadcast %mul3A_412 : f32 to vector<16xf32>
        %mul3A_414 = arith.mulf %get3A_411, %mul3A_413 : vector<16xf32>
        %swap3A_415 = arith.constant 0 : i32
        %swap3A_416 = arith.constant 1 : i32
        %swap3A_417 = arith.index_cast %swap3A_415 : i32 to index
        %swap3A_418 = arith.index_cast %swap3A_416 : i32 to index
        %swap3A_419 = arith.index_cast %scan3A_224 : i32 to index
        %swap3A_420 = arith.constant 16 : index
        %swap3A_421 = tpu.vector_load %arg7[%swap3A_417, %swap3A_418, %swap3A_419, %swap3A_420] {strides = array<i32>} : memref<2x4x50x128xf32, #tpu.memory_space<vmem>>, vector<1x1x1x16xf32>,
        %swap3A_422 = vector.shape_cast %swap3A_421 : vector<1x1x1x16xf32> to vector<16xf32>
        %swap3A_423 = vector.shape_cast %mul3A_414 : vector<16xf32> to vector<1x1x1x16xf32>
        tpu.vector_store %arg7[%swap3A_417, %swap3A_418, %swap3A_419, %swap3A_420], %swap3A_423 {strides = array<i32>} : memref<2x4x50x128xf32, #tpu.memory_space<vmem>>, vector<1x1x1x16xf32>,
        %add3A_424 = arith.constant 50 : i32
        %add3A_425 = arith.addi %add3A_424, %scan3A_224 : i32
        %get3A_426 = arith.constant 0 : i32
        %get3A_427 = arith.index_cast %get3A_426 : i32 to index
        %get3A_428 = arith.index_cast %add3A_425 : i32 to index
        %get3A_429 = arith.constant 32 : index
        %get3A_430 = tpu.vector_load %arg6[%get3A_427, %get3A_428, %get3A_429] {strides = array<i32>} : memref<2x200x128xf32, #tpu.memory_space<vmem>>, vector<1x1x16xf32>,
        %get3A_431 = vector.shape_cast %get3A_430 : vector<1x1x16xf32> to vector<16xf32>
        %mul3A_432 = arith.constant 11.3137083 : f32
        %mul3A_433 = vector.broadcast %mul3A_432 : f32 to vector<16xf32>
        %mul3A_434 = arith.mulf %get3A_431, %mul3A_433 : vector<16xf32>
        %swap3A_435 = arith.constant 0 : i32
        %swap3A_436 = arith.constant 1 : i32
        %swap3A_437 = arith.index_cast %swap3A_435 : i32 to index
        %swap3A_438 = arith.index_cast %swap3A_436 : i32 to index
        %swap3A_439 = arith.index_cast %scan3A_224 : i32 to index
        %swap3A_440 = arith.constant 32 : index
        %swap3A_441 = tpu.vector_load %arg7[%swap3A_437, %swap3A_438, %swap3A_439, %swap3A_440] {strides = array<i32>} : memref<2x4x50x128xf32, #tpu.memory_space<vmem>>, vector<1x1x1x16xf32>,
        %swap3A_442 = vector.shape_cast %swap3A_441 : vector<1x1x1x16xf32> to vector<16xf32>
        %swap3A_443 = vector.shape_cast %mul3A_434 : vector<16xf32> to vector<1x1x1x16xf32>
        tpu.vector_store %arg7[%swap3A_437, %swap3A_438, %swap3A_439, %swap3A_440], %swap3A_443 {strides = array<i32>} : memref<2x4x50x128xf32, #tpu.memory_space<vmem>>, vector<1x1x1x16xf32>,
        %add3A_444 = arith.constant 50 : i32
        %add3A_445 = arith.addi %add3A_444, %scan3A_224 : i32
        %get3A_446 = arith.constant 0 : i32
        %get3A_447 = arith.index_cast %get3A_446 : i32 to index
        %get3A_448 = arith.index_cast %add3A_445 : i32 to index
        %get3A_449 = arith.constant 48 : index
        %get3A_450 = tpu.vector_load %arg6[%get3A_447, %get3A_448, %get3A_449] {strides = array<i32>} : memref<2x200x128xf32, #tpu.memory_space<vmem>>, vector<1x1x16xf32>,
        %get3A_451 = vector.shape_cast %get3A_450 : vector<1x1x16xf32> to vector<16xf32>
        %mul3A_452 = arith.constant 11.3137083 : f32
        %mul3A_453 = vector.broadcast %mul3A_452 : f32 to vector<16xf32>
        %mul3A_454 = arith.mulf %get3A_451, %mul3A_453 : vector<16xf32>
        %swap3A_455 = arith.constant 0 : i32
        %swap3A_456 = arith.constant 1 : i32
        %swap3A_457 = arith.index_cast %swap3A_455 : i32 to index
        %swap3A_458 = arith.index_cast %swap3A_456 : i32 to index
        %swap3A_459 = arith.index_cast %scan3A_224 : i32 to index
        %swap3A_460 = arith.constant 48 : index
        %swap3A_461 = tpu.vector_load %arg7[%swap3A_457, %swap3A_458, %swap3A_459, %swap3A_460] {strides = array<i32>} : memref<2x4x50x128xf32, #tpu.memory_space<vmem>>, vector<1x1x1x16xf32>,
        %swap3A_462 = vector.shape_cast %swap3A_461 : vector<1x1x1x16xf32> to vector<16xf32>
        %swap3A_463 = vector.shape_cast %mul3A_454 : vector<16xf32> to vector<1x1x1x16xf32>
        tpu.vector_store %arg7[%swap3A_457, %swap3A_458, %swap3A_459, %swap3A_460], %swap3A_463 {strides = array<i32>} : memref<2x4x50x128xf32, #tpu.memory_space<vmem>>, vector<1x1x1x16xf32>,
        %add3A_464 = arith.constant 50 : i32
        %add3A_465 = arith.addi %add3A_464, %scan3A_224 : i32
        %get3A_466 = arith.constant 0 : i32
        %get3A_467 = arith.index_cast %get3A_466 : i32 to index
        %get3A_468 = arith.index_cast %add3A_465 : i32 to index
        %get3A_469 = arith.constant 64 : index
        %get3A_470 = tpu.vector_load %arg6[%get3A_467, %get3A_468, %get3A_469] {strides = array<i32>} : memref<2x200x128xf32, #tpu.memory_space<vmem>>, vector<1x1x16xf32>,
        %get3A_471 = vector.shape_cast %get3A_470 : vector<1x1x16xf32> to vector<16xf32>
        %mul3A_472 = arith.constant 11.3137083 : f32
        %mul3A_473 = vector.broadcast %mul3A_472 : f32 to vector<16xf32>
        %mul3A_474 = arith.mulf %get3A_471, %mul3A_473 : vector<16xf32>
        %swap3A_475 = arith.constant 0 : i32
        %swap3A_476 = arith.constant 1 : i32
        %swap3A_477 = arith.index_cast %swap3A_475 : i32 to index
        %swap3A_478 = arith.index_cast %swap3A_476 : i32 to index
        %swap3A_479 = arith.index_cast %scan3A_224 : i32 to index
        %swap3A_480 = arith.constant 64 : index
        %swap3A_481 = tpu.vector_load %arg7[%swap3A_477, %swap3A_478, %swap3A_479, %swap3A_480] {strides = array<i32>} : memref<2x4x50x128xf32, #tpu.memory_space<vmem>>, vector<1x1x1x16xf32>,
        %swap3A_482 = vector.shape_cast %swap3A_481 : vector<1x1x1x16xf32> to vector<16xf32>
        %swap3A_483 = vector.shape_cast %mul3A_474 : vector<16xf32> to vector<1x1x1x16xf32>
        tpu.vector_store %arg7[%swap3A_477, %swap3A_478, %swap3A_479, %swap3A_480], %swap3A_483 {strides = array<i32>} : memref<2x4x50x128xf32, #tpu.memory_space<vmem>>, vector<1x1x1x16xf32>,
        %add3A_484 = arith.constant 50 : i32
        %add3A_485 = arith.addi %add3A_484, %scan3A_224 : i32
        %get3A_486 = arith.constant 0 : i32
        %get3A_487 = arith.index_cast %get3A_486 : i32 to index
        %get3A_488 = arith.index_cast %add3A_485 : i32 to index
        %get3A_489 = arith.constant 80 : index
        %get3A_490 = tpu.vector_load %arg6[%get3A_487, %get3A_488, %get3A_489] {strides = array<i32>} : memref<2x200x128xf32, #tpu.memory_space<vmem>>, vector<1x1x16xf32>,
        %get3A_491 = vector.shape_cast %get3A_490 : vector<1x1x16xf32> to vector<16xf32>
        %mul3A_492 = arith.constant 11.3137083 : f32
        %mul3A_493 = vector.broadcast %mul3A_492 : f32 to vector<16xf32>
        %mul3A_494 = arith.mulf %get3A_491, %mul3A_493 : vector<16xf32>
        %swap3A_495 = arith.constant 0 : i32
        %swap3A_496 = arith.constant 1 : i32
        %swap3A_497 = arith.index_cast %swap3A_495 : i32 to index
        %swap3A_498 = arith.index_cast %swap3A_496 : i32 to index
        %swap3A_499 = arith.index_cast %scan3A_224 : i32 to index
        %swap3A_500 = arith.constant 80 : index
        %swap3A_501 = tpu.vector_load %arg7[%swap3A_497, %swap3A_498, %swap3A_499, %swap3A_500] {strides = array<i32>} : memref<2x4x50x128xf32, #tpu.memory_space<vmem>>, vector<1x1x1x16xf32>,
        %swap3A_502 = vector.shape_cast %swap3A_501 : vector<1x1x1x16xf32> to vector<16xf32>
        %swap3A_503 = vector.shape_cast %mul3A_494 : vector<16xf32> to vector<1x1x1x16xf32>
        tpu.vector_store %arg7[%swap3A_497, %swap3A_498, %swap3A_499, %swap3A_500], %swap3A_503 {strides = array<i32>} : memref<2x4x50x128xf32, #tpu.memory_space<vmem>>, vector<1x1x1x16xf32>,
        %add3A_504 = arith.constant 50 : i32
        %add3A_505 = arith.addi %add3A_504, %scan3A_224 : i32
        %get3A_506 = arith.constant 0 : i32
        %get3A_507 = arith.index_cast %get3A_506 : i32 to index
        %get3A_508 = arith.index_cast %add3A_505 : i32 to index
        %get3A_509 = arith.constant 96 : index
        %get3A_510 = tpu.vector_load %arg6[%get3A_507, %get3A_508, %get3A_509] {strides = array<i32>} : memref<2x200x128xf32, #tpu.memory_space<vmem>>, vector<1x1x16xf32>,
        %get3A_511 = vector.shape_cast %get3A_510 : vector<1x1x16xf32> to vector<16xf32>
        %mul3A_512 = arith.constant 11.3137083 : f32
        %mul3A_513 = vector.broadcast %mul3A_512 : f32 to vector<16xf32>
        %mul3A_514 = arith.mulf %get3A_511, %mul3A_513 : vector<16xf32>
        %swap3A_515 = arith.constant 0 : i32
        %swap3A_516 = arith.constant 1 : i32
        %swap3A_517 = arith.index_cast %swap3A_515 : i32 to index
        %swap3A_518 = arith.index_cast %swap3A_516 : i32 to index
        %swap3A_519 = arith.index_cast %scan3A_224 : i32 to index
        %swap3A_520 = arith.constant 96 : index
        %swap3A_521 = tpu.vector_load %arg7[%swap3A_517, %swap3A_518, %swap3A_519, %swap3A_520] {strides = array<i32>} : memref<2x4x50x128xf32, #tpu.memory_space<vmem>>, vector<1x1x1x16xf32>,
        %swap3A_522 = vector.shape_cast %swap3A_521 : vector<1x1x1x16xf32> to vector<16xf32>
        %swap3A_523 = vector.shape_cast %mul3A_514 : vector<16xf32> to vector<1x1x1x16xf32>
        tpu.vector_store %arg7[%swap3A_517, %swap3A_518, %swap3A_519, %swap3A_520], %swap3A_523 {strides = array<i32>} : memref<2x4x50x128xf32, #tpu.memory_space<vmem>>, vector<1x1x1x16xf32>,
        %add3A_524 = arith.constant 50 : i32
        %add3A_525 = arith.addi %add3A_524, %scan3A_224 : i32
        %get3A_526 = arith.constant 0 : i32
        %get3A_527 = arith.index_cast %get3A_526 : i32 to index
        %get3A_528 = arith.index_cast %add3A_525 : i32 to index
        %get3A_529 = arith.constant 112 : index
        %get3A_530 = tpu.vector_load %arg6[%get3A_527, %get3A_528, %get3A_529] {strides = array<i32>} : memref<2x200x128xf32, #tpu.memory_space<vmem>>, vector<1x1x16xf32>,
        %get3A_531 = vector.shape_cast %get3A_530 : vector<1x1x16xf32> to vector<16xf32>
        %mul3A_532 = arith.constant 11.3137083 : f32
        %mul3A_533 = vector.broadcast %mul3A_532 : f32 to vector<16xf32>
        %mul3A_534 = arith.mulf %get3A_531, %mul3A_533 : vector<16xf32>
        %swap3A_535 = arith.constant 0 : i32
        %swap3A_536 = arith.constant 1 : i32
        %swap3A_537 = arith.index_cast %swap3A_535 : i32 to index
        %swap3A_538 = arith.index_cast %swap3A_536 : i32 to index
        %swap3A_539 = arith.index_cast %scan3A_224 : i32 to index
        %swap3A_540 = arith.constant 112 : index
        %swap3A_541 = tpu.vector_load %arg7[%swap3A_537, %swap3A_538, %swap3A_539, %swap3A_540] {strides = array<i32>} : memref<2x4x50x128xf32, #tpu.memory_space<vmem>>, vector<1x1x1x16xf32>,
        %swap3A_542 = vector.shape_cast %swap3A_541 : vector<1x1x1x16xf32> to vector<16xf32>
        %swap3A_543 = vector.shape_cast %mul3A_534 : vector<16xf32> to vector<1x1x1x16xf32>
        tpu.vector_store %arg7[%swap3A_537, %swap3A_538, %swap3A_539, %swap3A_540], %swap3A_543 {strides = array<i32>} : memref<2x4x50x128xf32, #tpu.memory_space<vmem>>, vector<1x1x1x16xf32>,
        %add3A_544 = arith.constant 100 : i32
        %add3A_545 = arith.addi %add3A_544, %scan3A_224 : i32
        %get3A_546 = arith.constant 0 : i32
        %get3A_547 = arith.index_cast %get3A_546 : i32 to index
        %get3A_548 = arith.index_cast %add3A_545 : i32 to index
        %get3A_549 = arith.constant 0 : index
        %get3A_550 = tpu.vector_load %arg6[%get3A_547, %get3A_548, %get3A_549] {strides = array<i32>} : memref<2x200x128xf32, #tpu.memory_space<vmem>>, vector<1x1x16xf32>,
        %get3A_551 = vector.shape_cast %get3A_550 : vector<1x1x16xf32> to vector<16xf32>
        %mul3A_552 = arith.constant 11.3137083 : f32
        %mul3A_553 = vector.broadcast %mul3A_552 : f32 to vector<16xf32>
        %mul3A_554 = arith.mulf %get3A_551, %mul3A_553 : vector<16xf32>
        %swap3A_555 = arith.constant 0 : i32
        %swap3A_556 = arith.constant 2 : i32
        %swap3A_557 = arith.index_cast %swap3A_555 : i32 to index
        %swap3A_558 = arith.index_cast %swap3A_556 : i32 to index
        %swap3A_559 = arith.index_cast %scan3A_224 : i32 to index
        %swap3A_560 = arith.constant 0 : index
        %swap3A_561 = tpu.vector_load %arg7[%swap3A_557, %swap3A_558, %swap3A_559, %swap3A_560] {strides = array<i32>} : memref<2x4x50x128xf32, #tpu.memory_space<vmem>>, vector<1x1x1x16xf32>,
        %swap3A_562 = vector.shape_cast %swap3A_561 : vector<1x1x1x16xf32> to vector<16xf32>
        %swap3A_563 = vector.shape_cast %mul3A_554 : vector<16xf32> to vector<1x1x1x16xf32>
        tpu.vector_store %arg7[%swap3A_557, %swap3A_558, %swap3A_559, %swap3A_560], %swap3A_563 {strides = array<i32>} : memref<2x4x50x128xf32, #tpu.memory_space<vmem>>, vector<1x1x1x16xf32>,
        %add3A_564 = arith.constant 100 : i32
        %add3A_565 = arith.addi %add3A_564, %scan3A_224 : i32
        %get3A_566 = arith.constant 0 : i32
        %get3A_567 = arith.index_cast %get3A_566 : i32 to index
        %get3A_568 = arith.index_cast %add3A_565 : i32 to index
        %get3A_569 = arith.constant 16 : index
        %get3A_570 = tpu.vector_load %arg6[%get3A_567, %get3A_568, %get3A_569] {strides = array<i32>} : memref<2x200x128xf32, #tpu.memory_space<vmem>>, vector<1x1x16xf32>,
        %get3A_571 = vector.shape_cast %get3A_570 : vector<1x1x16xf32> to vector<16xf32>
        %mul3A_572 = arith.constant 11.3137083 : f32
        %mul3A_573 = vector.broadcast %mul3A_572 : f32 to vector<16xf32>
        %mul3A_574 = arith.mulf %get3A_571, %mul3A_573 : vector<16xf32>
        %swap3A_575 = arith.constant 0 : i32
        %swap3A_576 = arith.constant 2 : i32
        %swap3A_577 = arith.index_cast %swap3A_575 : i32 to index
        %swap3A_578 = arith.index_cast %swap3A_576 : i32 to index
        %swap3A_579 = arith.index_cast %scan3A_224 : i32 to index
        %swap3A_580 = arith.constant 16 : index
        %swap3A_581 = tpu.vector_load %arg7[%swap3A_577, %swap3A_578, %swap3A_579, %swap3A_580] {strides = array<i32>} : memref<2x4x50x128xf32, #tpu.memory_space<vmem>>, vector<1x1x1x16xf32>,
        %swap3A_582 = vector.shape_cast %swap3A_581 : vector<1x1x1x16xf32> to vector<16xf32>
        %swap3A_583 = vector.shape_cast %mul3A_574 : vector<16xf32> to vector<1x1x1x16xf32>
        tpu.vector_store %arg7[%swap3A_577, %swap3A_578, %swap3A_579, %swap3A_580], %swap3A_583 {strides = array<i32>} : memref<2x4x50x128xf32, #tpu.memory_space<vmem>>, vector<1x1x1x16xf32>,
        %add3A_584 = arith.constant 100 : i32
        %add3A_585 = arith.addi %add3A_584, %scan3A_224 : i32
        %get3A_586 = arith.constant 0 : i32
        %get3A_587 = arith.index_cast %get3A_586 : i32 to index
        %get3A_588 = arith.index_cast %add3A_585 : i32 to index
        %get3A_589 = arith.constant 32 : index
        %get3A_590 = tpu.vector_load %arg6[%get3A_587, %get3A_588, %get3A_589] {strides = array<i32>} : memref<2x200x128xf32, #tpu.memory_space<vmem>>, vector<1x1x16xf32>,
        %get3A_591 = vector.shape_cast %get3A_590 : vector<1x1x16xf32> to vector<16xf32>
        %mul3A_592 = arith.constant 11.3137083 : f32
        %mul3A_593 = vector.broadcast %mul3A_592 : f32 to vector<16xf32>
        %mul3A_594 = arith.mulf %get3A_591, %mul3A_593 : vector<16xf32>
        %swap3A_595 = arith.constant 0 : i32
        %swap3A_596 = arith.constant 2 : i32
        %swap3A_597 = arith.index_cast %swap3A_595 : i32 to index
        %swap3A_598 = arith.index_cast %swap3A_596 : i32 to index
        %swap3A_599 = arith.index_cast %scan3A_224 : i32 to index
        %swap3A_600 = arith.constant 32 : index
        %swap3A_601 = tpu.vector_load %arg7[%swap3A_597, %swap3A_598, %swap3A_599, %swap3A_600] {strides = array<i32>} : memref<2x4x50x128xf32, #tpu.memory_space<vmem>>, vector<1x1x1x16xf32>,
        %swap3A_602 = vector.shape_cast %swap3A_601 : vector<1x1x1x16xf32> to vector<16xf32>
        %swap3A_603 = vector.shape_cast %mul3A_594 : vector<16xf32> to vector<1x1x1x16xf32>
        tpu.vector_store %arg7[%swap3A_597, %swap3A_598, %swap3A_599, %swap3A_600], %swap3A_603 {strides = array<i32>} : memref<2x4x50x128xf32, #tpu.memory_space<vmem>>, vector<1x1x1x16xf32>,
        %add3A_604 = arith.constant 100 : i32
        %add3A_605 = arith.addi %add3A_604, %scan3A_224 : i32
        %get3A_606 = arith.constant 0 : i32
        %get3A_607 = arith.index_cast %get3A_606 : i32 to index
        %get3A_608 = arith.index_cast %add3A_605 : i32 to index
        %get3A_609 = arith.constant 48 : index
        %get3A_610 = tpu.vector_load %arg6[%get3A_607, %get3A_608, %get3A_609] {strides = array<i32>} : memref<2x200x128xf32, #tpu.memory_space<vmem>>, vector<1x1x16xf32>,
        %get3A_611 = vector.shape_cast %get3A_610 : vector<1x1x16xf32> to vector<16xf32>
        %mul3A_612 = arith.constant 11.3137083 : f32
        %mul3A_613 = vector.broadcast %mul3A_612 : f32 to vector<16xf32>
        %mul3A_614 = arith.mulf %get3A_611, %mul3A_613 : vector<16xf32>
        %swap3A_615 = arith.constant 0 : i32
        %swap3A_616 = arith.constant 2 : i32
        %swap3A_617 = arith.index_cast %swap3A_615 : i32 to index
        %swap3A_618 = arith.index_cast %swap3A_616 : i32 to index
        %swap3A_619 = arith.index_cast %scan3A_224 : i32 to index
        %swap3A_620 = arith.constant 48 : index
        %swap3A_621 = tpu.vector_load %arg7[%swap3A_617, %swap3A_618, %swap3A_619, %swap3A_620] {strides = array<i32>} : memref<2x4x50x128xf32, #tpu.memory_space<vmem>>, vector<1x1x1x16xf32>,
        %swap3A_622 = vector.shape_cast %swap3A_621 : vector<1x1x1x16xf32> to vector<16xf32>
        %swap3A_623 = vector.shape_cast %mul3A_614 : vector<16xf32> to vector<1x1x1x16xf32>
        tpu.vector_store %arg7[%swap3A_617, %swap3A_618, %swap3A_619, %swap3A_620], %swap3A_623 {strides = array<i32>} : memref<2x4x50x128xf32, #tpu.memory_space<vmem>>, vector<1x1x1x16xf32>,
        %add3A_624 = arith.constant 100 : i32
        %add3A_625 = arith.addi %add3A_624, %scan3A_224 : i32
        %get3A_626 = arith.constant 0 : i32
        %get3A_627 = arith.index_cast %get3A_626 : i32 to index
        %get3A_628 = arith.index_cast %add3A_625 : i32 to index
        %get3A_629 = arith.constant 64 : index
        %get3A_630 = tpu.vector_load %arg6[%get3A_627, %get3A_628, %get3A_629] {strides = array<i32>} : memref<2x200x128xf32, #tpu.memory_space<vmem>>, vector<1x1x16xf32>,
        %get3A_631 = vector.shape_cast %get3A_630 : vector<1x1x16xf32> to vector<16xf32>
        %mul3A_632 = arith.constant 11.3137083 : f32
        %mul3A_633 = vector.broadcast %mul3A_632 : f32 to vector<16xf32>
        %mul3A_634 = arith.mulf %get3A_631, %mul3A_633 : vector<16xf32>
        %swap3A_635 = arith.constant 0 : i32
        %swap3A_636 = arith.constant 2 : i32
        %swap3A_637 = arith.index_cast %swap3A_635 : i32 to index
        %swap3A_638 = arith.index_cast %swap3A_636 : i32 to index
        %swap3A_639 = arith.index_cast %scan3A_224 : i32 to index
        %swap3A_640 = arith.constant 64 : index
        %swap3A_641 = tpu.vector_load %arg7[%swap3A_637, %swap3A_638, %swap3A_639, %swap3A_640] {strides = array<i32>} : memref<2x4x50x128xf32, #tpu.memory_space<vmem>>, vector<1x1x1x16xf32>,
        %swap3A_642 = vector.shape_cast %swap3A_641 : vector<1x1x1x16xf32> to vector<16xf32>
        %swap3A_643 = vector.shape_cast %mul3A_634 : vector<16xf32> to vector<1x1x1x16xf32>
        tpu.vector_store %arg7[%swap3A_637, %swap3A_638, %swap3A_639, %swap3A_640], %swap3A_643 {strides = array<i32>} : memref<2x4x50x128xf32, #tpu.memory_space<vmem>>, vector<1x1x1x16xf32>,
        %add3A_644 = arith.constant 100 : i32
        %add3A_645 = arith.addi %add3A_644, %scan3A_224 : i32
        %get3A_646 = arith.constant 0 : i32
        %get3A_647 = arith.index_cast %get3A_646 : i32 to index
        %get3A_648 = arith.index_cast %add3A_645 : i32 to index
        %get3A_649 = arith.constant 80 : index
        %get3A_650 = tpu.vector_load %arg6[%get3A_647, %get3A_648, %get3A_649] {strides = array<i32>} : memref<2x200x128xf32, #tpu.memory_space<vmem>>, vector<1x1x16xf32>,
        %get3A_651 = vector.shape_cast %get3A_650 : vector<1x1x16xf32> to vector<16xf32>
        %mul3A_652 = arith.constant 11.3137083 : f32
        %mul3A_653 = vector.broadcast %mul3A_652 : f32 to vector<16xf32>
        %mul3A_654 = arith.mulf %get3A_651, %mul3A_653 : vector<16xf32>
        %swap3A_655 = arith.constant 0 : i32
        %swap3A_656 = arith.constant 2 : i32
        %swap3A_657 = arith.index_cast %swap3A_655 : i32 to index
        %swap3A_658 = arith.index_cast %swap3A_656 : i32 to index
        %swap3A_659 = arith.index_cast %scan3A_224 : i32 to index
        %swap3A_660 = arith.constant 80 : index
        %swap3A_661 = tpu.vector_load %arg7[%swap3A_657, %swap3A_658, %swap3A_659, %swap3A_660] {strides = array<i32>} : memref<2x4x50x128xf32, #tpu.memory_space<vmem>>, vector<1x1x1x16xf32>,
        %swap3A_662 = vector.shape_cast %swap3A_661 : vector<1x1x1x16xf32> to vector<16xf32>
        %swap3A_663 = vector.shape_cast %mul3A_654 : vector<16xf32> to vector<1x1x1x16xf32>
        tpu.vector_store %arg7[%swap3A_657, %swap3A_658, %swap3A_659, %swap3A_660], %swap3A_663 {strides = array<i32>} : memref<2x4x50x128xf32, #tpu.memory_space<vmem>>, vector<1x1x1x16xf32>,
        %add3A_664 = arith.constant 100 : i32
        %add3A_665 = arith.addi %add3A_664, %scan3A_224 : i32
        %get3A_666 = arith.constant 0 : i32
        %get3A_667 = arith.index_cast %get3A_666 : i32 to index
        %get3A_668 = arith.index_cast %add3A_665 : i32 to index
        %get3A_669 = arith.constant 96 : index
        %get3A_670 = tpu.vector_load %arg6[%get3A_667, %get3A_668, %get3A_669] {strides = array<i32>} : memref<2x200x128xf32, #tpu.memory_space<vmem>>, vector<1x1x16xf32>,
        %get3A_671 = vector.shape_cast %get3A_670 : vector<1x1x16xf32> to vector<16xf32>
        %mul3A_672 = arith.constant 11.3137083 : f32
        %mul3A_673 = vector.broadcast %mul3A_672 : f32 to vector<16xf32>
        %mul3A_674 = arith.mulf %get3A_671, %mul3A_673 : vector<16xf32>
        %swap3A_675 = arith.constant 0 : i32
        %swap3A_676 = arith.constant 2 : i32
        %swap3A_677 = arith.index_cast %swap3A_675 : i32 to index
        %swap3A_678 = arith.index_cast %swap3A_676 : i32 to index
        %swap3A_679 = arith.index_cast %scan3A_224 : i32 to index
        %swap3A_680 = arith.constant 96 : index
        %swap3A_681 = tpu.vector_load %arg7[%swap3A_677, %swap3A_678, %swap3A_679, %swap3A_680] {strides = array<i32>} : memref<2x4x50x128xf32, #tpu.memory_space<vmem>>, vector<1x1x1x16xf32>,
        %swap3A_682 = vector.shape_cast %swap3A_681 : vector<1x1x1x16xf32> to vector<16xf32>
        %swap3A_683 = vector.shape_cast %mul3A_674 : vector<16xf32> to vector<1x1x1x16xf32>
        tpu.vector_store %arg7[%swap3A_677, %swap3A_678, %swap3A_679, %swap3A_680], %swap3A_683 {strides = array<i32>} : memref<2x4x50x128xf32, #tpu.memory_space<vmem>>, vector<1x1x1x16xf32>,
        %add3A_684 = arith.constant 100 : i32
        %add3A_685 = arith.addi %add3A_684, %scan3A_224 : i32
        %get3A_686 = arith.constant 0 : i32
        %get3A_687 = arith.index_cast %get3A_686 : i32 to index
        %get3A_688 = arith.index_cast %add3A_685 : i32 to index
        %get3A_689 = arith.constant 112 : index
        %get3A_690 = tpu.vector_load %arg6[%get3A_687, %get3A_688, %get3A_689] {strides = array<i32>} : memref<2x200x128xf32, #tpu.memory_space<vmem>>, vector<1x1x16xf32>,
        %get3A_691 = vector.shape_cast %get3A_690 : vector<1x1x16xf32> to vector<16xf32>
        %mul3A_692 = arith.constant 11.3137083 : f32
        %mul3A_693 = vector.broadcast %mul3A_692 : f32 to vector<16xf32>
        %mul3A_694 = arith.mulf %get3A_691, %mul3A_693 : vector<16xf32>
        %swap3A_695 = arith.constant 0 : i32
        %swap3A_696 = arith.constant 2 : i32
        %swap3A_697 = arith.index_cast %swap3A_695 : i32 to index
        %swap3A_698 = arith.index_cast %swap3A_696 : i32 to index
        %swap3A_699 = arith.index_cast %scan3A_224 : i32 to index
        %swap3A_700 = arith.constant 112 : index
        %swap3A_701 = tpu.vector_load %arg7[%swap3A_697, %swap3A_698, %swap3A_699, %swap3A_700] {strides = array<i32>} : memref<2x4x50x128xf32, #tpu.memory_space<vmem>>, vector<1x1x1x16xf32>,
        %swap3A_702 = vector.shape_cast %swap3A_701 : vector<1x1x1x16xf32> to vector<16xf32>
        %swap3A_703 = vector.shape_cast %mul3A_694 : vector<16xf32> to vector<1x1x1x16xf32>
        tpu.vector_store %arg7[%swap3A_697, %swap3A_698, %swap3A_699, %swap3A_700], %swap3A_703 {strides = array<i32>} : memref<2x4x50x128xf32, #tpu.memory_space<vmem>>, vector<1x1x1x16xf32>,
        %add3A_704 = arith.constant 150 : i32
        %add3A_705 = arith.addi %add3A_704, %scan3A_224 : i32
        %get3A_706 = arith.constant 0 : i32
        %get3A_707 = arith.index_cast %get3A_706 : i32 to index
        %get3A_708 = arith.index_cast %add3A_705 : i32 to index
        %get3A_709 = arith.constant 0 : index
        %get3A_710 = tpu.vector_load %arg6[%get3A_707, %get3A_708, %get3A_709] {strides = array<i32>} : memref<2x200x128xf32, #tpu.memory_space<vmem>>, vector<1x1x16xf32>,
        %get3A_711 = vector.shape_cast %get3A_710 : vector<1x1x16xf32> to vector<16xf32>
        %mul3A_712 = arith.constant 11.3137083 : f32
        %mul3A_713 = vector.broadcast %mul3A_712 : f32 to vector<16xf32>
        %mul3A_714 = arith.mulf %get3A_711, %mul3A_713 : vector<16xf32>
        %swap3A_715 = arith.constant 0 : i32
        %swap3A_716 = arith.constant 3 : i32
        %swap3A_717 = arith.index_cast %swap3A_715 : i32 to index
        %swap3A_718 = arith.index_cast %swap3A_716 : i32 to index
        %swap3A_719 = arith.index_cast %scan3A_224 : i32 to index
        %swap3A_720 = arith.constant 0 : index
        %swap3A_721 = tpu.vector_load %arg7[%swap3A_717, %swap3A_718, %swap3A_719, %swap3A_720] {strides = array<i32>} : memref<2x4x50x128xf32, #tpu.memory_space<vmem>>, vector<1x1x1x16xf32>,
        %swap3A_722 = vector.shape_cast %swap3A_721 : vector<1x1x1x16xf32> to vector<16xf32>
        %swap3A_723 = vector.shape_cast %mul3A_714 : vector<16xf32> to vector<1x1x1x16xf32>
        tpu.vector_store %arg7[%swap3A_717, %swap3A_718, %swap3A_719, %swap3A_720], %swap3A_723 {strides = array<i32>} : memref<2x4x50x128xf32, #tpu.memory_space<vmem>>, vector<1x1x1x16xf32>,
        %add3A_724 = arith.constant 150 : i32
        %add3A_725 = arith.addi %add3A_724, %scan3A_224 : i32
        %get3A_726 = arith.constant 0 : i32
        %get3A_727 = arith.index_cast %get3A_726 : i32 to index
        %get3A_728 = arith.index_cast %add3A_725 : i32 to index
        %get3A_729 = arith.constant 16 : index
        %get3A_730 = tpu.vector_load %arg6[%get3A_727, %get3A_728, %get3A_729] {strides = array<i32>} : memref<2x200x128xf32, #tpu.memory_space<vmem>>, vector<1x1x16xf32>,
        %get3A_731 = vector.shape_cast %get3A_730 : vector<1x1x16xf32> to vector<16xf32>
        %mul3A_732 = arith.constant 11.3137083 : f32
        %mul3A_733 = vector.broadcast %mul3A_732 : f32 to vector<16xf32>
        %mul3A_734 = arith.mulf %get3A_731, %mul3A_733 : vector<16xf32>
        %swap3A_735 = arith.constant 0 : i32
        %swap3A_736 = arith.constant 3 : i32
        %swap3A_737 = arith.index_cast %swap3A_735 : i32 to index
        %swap3A_738 = arith.index_cast %swap3A_736 : i32 to index
        %swap3A_739 = arith.index_cast %scan3A_224 : i32 to index
        %swap3A_740 = arith.constant 16 : index
        %swap3A_741 = tpu.vector_load %arg7[%swap3A_737, %swap3A_738, %swap3A_739, %swap3A_740] {strides = array<i32>} : memref<2x4x50x128xf32, #tpu.memory_space<vmem>>, vector<1x1x1x16xf32>,
        %swap3A_742 = vector.shape_cast %swap3A_741 : vector<1x1x1x16xf32> to vector<16xf32>
        %swap3A_743 = vector.shape_cast %mul3A_734 : vector<16xf32> to vector<1x1x1x16xf32>
        tpu.vector_store %arg7[%swap3A_737, %swap3A_738, %swap3A_739, %swap3A_740], %swap3A_743 {strides = array<i32>} : memref<2x4x50x128xf32, #tpu.memory_space<vmem>>, vector<1x1x1x16xf32>,
        %add3A_744 = arith.constant 150 : i32
        %add3A_745 = arith.addi %add3A_744, %scan3A_224 : i32
        %get3A_746 = arith.constant 0 : i32
        %get3A_747 = arith.index_cast %get3A_746 : i32 to index
        %get3A_748 = arith.index_cast %add3A_745 : i32 to index
        %get3A_749 = arith.constant 32 : index
        %get3A_750 = tpu.vector_load %arg6[%get3A_747, %get3A_748, %get3A_749] {strides = array<i32>} : memref<2x200x128xf32, #tpu.memory_space<vmem>>, vector<1x1x16xf32>,
        %get3A_751 = vector.shape_cast %get3A_750 : vector<1x1x16xf32> to vector<16xf32>
        %mul3A_752 = arith.constant 11.3137083 : f32
        %mul3A_753 = vector.broadcast %mul3A_752 : f32 to vector<16xf32>
        %mul3A_754 = arith.mulf %get3A_751, %mul3A_753 : vector<16xf32>
        %swap3A_755 = arith.constant 0 : i32
        %swap3A_756 = arith.constant 3 : i32
        %swap3A_757 = arith.index_cast %swap3A_755 : i32 to index
        %swap3A_758 = arith.index_cast %swap3A_756 : i32 to index
        %swap3A_759 = arith.index_cast %scan3A_224 : i32 to index
        %swap3A_760 = arith.constant 32 : index
        %swap3A_761 = tpu.vector_load %arg7[%swap3A_757, %swap3A_758, %swap3A_759, %swap3A_760] {strides = array<i32>} : memref<2x4x50x128xf32, #tpu.memory_space<vmem>>, vector<1x1x1x16xf32>,
        %swap3A_762 = vector.shape_cast %swap3A_761 : vector<1x1x1x16xf32> to vector<16xf32>
        %swap3A_763 = vector.shape_cast %mul3A_754 : vector<16xf32> to vector<1x1x1x16xf32>
        tpu.vector_store %arg7[%swap3A_757, %swap3A_758, %swap3A_759, %swap3A_760], %swap3A_763 {strides = array<i32>} : memref<2x4x50x128xf32, #tpu.memory_space<vmem>>, vector<1x1x1x16xf32>,
        %add3A_764 = arith.constant 150 : i32
        %add3A_765 = arith.addi %add3A_764, %scan3A_224 : i32
        %get3A_766 = arith.constant 0 : i32
        %get3A_767 = arith.index_cast %get3A_766 : i32 to index
        %get3A_768 = arith.index_cast %add3A_765 : i32 to index
        %get3A_769 = arith.constant 48 : index
        %get3A_770 = tpu.vector_load %arg6[%get3A_767, %get3A_768, %get3A_769] {strides = array<i32>} : memref<2x200x128xf32, #tpu.memory_space<vmem>>, vector<1x1x16xf32>,
        %get3A_771 = vector.shape_cast %get3A_770 : vector<1x1x16xf32> to vector<16xf32>
        %mul3A_772 = arith.constant 11.3137083 : f32
        %mul3A_773 = vector.broadcast %mul3A_772 : f32 to vector<16xf32>
        %mul3A_774 = arith.mulf %get3A_771, %mul3A_773 : vector<16xf32>
        %swap3A_775 = arith.constant 0 : i32
        %swap3A_776 = arith.constant 3 : i32
        %swap3A_777 = arith.index_cast %swap3A_775 : i32 to index
        %swap3A_778 = arith.index_cast %swap3A_776 : i32 to index
        %swap3A_779 = arith.index_cast %scan3A_224 : i32 to index
        %swap3A_780 = arith.constant 48 : index
        %swap3A_781 = tpu.vector_load %arg7[%swap3A_777, %swap3A_778, %swap3A_779, %swap3A_780] {strides = array<i32>} : memref<2x4x50x128xf32, #tpu.memory_space<vmem>>, vector<1x1x1x16xf32>,
        %swap3A_782 = vector.shape_cast %swap3A_781 : vector<1x1x1x16xf32> to vector<16xf32>
        %swap3A_783 = vector.shape_cast %mul3A_774 : vector<16xf32> to vector<1x1x1x16xf32>
        tpu.vector_store %arg7[%swap3A_777, %swap3A_778, %swap3A_779, %swap3A_780], %swap3A_783 {strides = array<i32>} : memref<2x4x50x128xf32, #tpu.memory_space<vmem>>, vector<1x1x1x16xf32>,
        %add3A_784 = arith.constant 150 : i32
        %add3A_785 = arith.addi %add3A_784, %scan3A_224 : i32
        %get3A_786 = arith.constant 0 : i32
        %get3A_787 = arith.index_cast %get3A_786 : i32 to index
        %get3A_788 = arith.index_cast %add3A_785 : i32 to index
        %get3A_789 = arith.constant 64 : index
        %get3A_790 = tpu.vector_load %arg6[%get3A_787, %get3A_788, %get3A_789] {strides = array<i32>} : memref<2x200x128xf32, #tpu.memory_space<vmem>>, vector<1x1x16xf32>,
        %get3A_791 = vector.shape_cast %get3A_790 : vector<1x1x16xf32> to vector<16xf32>
        %mul3A_792 = arith.constant 11.3137083 : f32
        %mul3A_793 = vector.broadcast %mul3A_792 : f32 to vector<16xf32>
        %mul3A_794 = arith.mulf %get3A_791, %mul3A_793 : vector<16xf32>
        %swap3A_795 = arith.constant 0 : i32
        %swap3A_796 = arith.constant 3 : i32
        %swap3A_797 = arith.index_cast %swap3A_795 : i32 to index
        %swap3A_798 = arith.index_cast %swap3A_796 : i32 to index
        %swap3A_799 = arith.index_cast %scan3A_224 : i32 to index
        %swap3A_800 = arith.constant 64 : index
        %swap3A_801 = tpu.vector_load %arg7[%swap3A_797, %swap3A_798, %swap3A_799, %swap3A_800] {strides = array<i32>} : memref<2x4x50x128xf32, #tpu.memory_space<vmem>>, vector<1x1x1x16xf32>,
        %swap3A_802 = vector.shape_cast %swap3A_801 : vector<1x1x1x16xf32> to vector<16xf32>
        %swap3A_803 = vector.shape_cast %mul3A_794 : vector<16xf32> to vector<1x1x1x16xf32>
        tpu.vector_store %arg7[%swap3A_797, %swap3A_798, %swap3A_799, %swap3A_800], %swap3A_803 {strides = array<i32>} : memref<2x4x50x128xf32, #tpu.memory_space<vmem>>, vector<1x1x1x16xf32>,
        %add3A_804 = arith.constant 150 : i32
        %add3A_805 = arith.addi %add3A_804, %scan3A_224 : i32
        %get3A_806 = arith.constant 0 : i32
        %get3A_807 = arith.index_cast %get3A_806 : i32 to index
        %get3A_808 = arith.index_cast %add3A_805 : i32 to index
        %get3A_809 = arith.constant 80 : index
        %get3A_810 = tpu.vector_load %arg6[%get3A_807, %get3A_808, %get3A_809] {strides = array<i32>} : memref<2x200x128xf32, #tpu.memory_space<vmem>>, vector<1x1x16xf32>,
        %get3A_811 = vector.shape_cast %get3A_810 : vector<1x1x16xf32> to vector<16xf32>
        %mul3A_812 = arith.constant 11.3137083 : f32
        %mul3A_813 = vector.broadcast %mul3A_812 : f32 to vector<16xf32>
        %mul3A_814 = arith.mulf %get3A_811, %mul3A_813 : vector<16xf32>
        %swap3A_815 = arith.constant 0 : i32
        %swap3A_816 = arith.constant 3 : i32
        %swap3A_817 = arith.index_cast %swap3A_815 : i32 to index
        %swap3A_818 = arith.index_cast %swap3A_816 : i32 to index
        %swap3A_819 = arith.index_cast %scan3A_224 : i32 to index
        %swap3A_820 = arith.constant 80 : index
        %swap3A_821 = tpu.vector_load %arg7[%swap3A_817, %swap3A_818, %swap3A_819, %swap3A_820] {strides = array<i32>} : memref<2x4x50x128xf32, #tpu.memory_space<vmem>>, vector<1x1x1x16xf32>,
        %swap3A_822 = vector.shape_cast %swap3A_821 : vector<1x1x1x16xf32> to vector<16xf32>
        %swap3A_823 = vector.shape_cast %mul3A_814 : vector<16xf32> to vector<1x1x1x16xf32>
        tpu.vector_store %arg7[%swap3A_817, %swap3A_818, %swap3A_819, %swap3A_820], %swap3A_823 {strides = array<i32>} : memref<2x4x50x128xf32, #tpu.memory_space<vmem>>, vector<1x1x1x16xf32>,
        %add3A_824 = arith.constant 150 : i32
        %add3A_825 = arith.addi %add3A_824, %scan3A_224 : i32
        %get3A_826 = arith.constant 0 : i32
        %get3A_827 = arith.index_cast %get3A_826 : i32 to index
        %get3A_828 = arith.index_cast %add3A_825 : i32 to index
        %get3A_829 = arith.constant 96 : index
        %get3A_830 = tpu.vector_load %arg6[%get3A_827, %get3A_828, %get3A_829] {strides = array<i32>} : memref<2x200x128xf32, #tpu.memory_space<vmem>>, vector<1x1x16xf32>,
        %get3A_831 = vector.shape_cast %get3A_830 : vector<1x1x16xf32> to vector<16xf32>
        %mul3A_832 = arith.constant 11.3137083 : f32
        %mul3A_833 = vector.broadcast %mul3A_832 : f32 to vector<16xf32>
        %mul3A_834 = arith.mulf %get3A_831, %mul3A_833 : vector<16xf32>
        %swap3A_835 = arith.constant 0 : i32
        %swap3A_836 = arith.constant 3 : i32
        %swap3A_837 = arith.index_cast %swap3A_835 : i32 to index
        %swap3A_838 = arith.index_cast %swap3A_836 : i32 to index
        %swap3A_839 = arith.index_cast %scan3A_224 : i32 to index
        %swap3A_840 = arith.constant 96 : index
        %swap3A_841 = tpu.vector_load %arg7[%swap3A_837, %swap3A_838, %swap3A_839, %swap3A_840] {strides = array<i32>} : memref<2x4x50x128xf32, #tpu.memory_space<vmem>>, vector<1x1x1x16xf32>,
        %swap3A_842 = vector.shape_cast %swap3A_841 : vector<1x1x1x16xf32> to vector<16xf32>
        %swap3A_843 = vector.shape_cast %mul3A_834 : vector<16xf32> to vector<1x1x1x16xf32>
        tpu.vector_store %arg7[%swap3A_837, %swap3A_838, %swap3A_839, %swap3A_840], %swap3A_843 {strides = array<i32>} : memref<2x4x50x128xf32, #tpu.memory_space<vmem>>, vector<1x1x1x16xf32>,
        %add3A_844 = arith.constant 150 : i32
        %add3A_845 = arith.addi %add3A_844, %scan3A_224 : i32
        %get3A_846 = arith.constant 0 : i32
        %get3A_847 = arith.index_cast %get3A_846 : i32 to index
        %get3A_848 = arith.index_cast %add3A_845 : i32 to index
        %get3A_849 = arith.constant 112 : index
        %get3A_850 = tpu.vector_load %arg6[%get3A_847, %get3A_848, %get3A_849] {strides = array<i32>} : memref<2x200x128xf32, #tpu.memory_space<vmem>>, vector<1x1x16xf32>,
        %get3A_851 = vector.shape_cast %get3A_850 : vector<1x1x16xf32> to vector<16xf32>
        %mul3A_852 = arith.constant 11.3137083 : f32
        %mul3A_853 = vector.broadcast %mul3A_852 : f32 to vector<16xf32>
        %mul3A_854 = arith.mulf %get3A_851, %mul3A_853 : vector<16xf32>
        %swap3A_855 = arith.constant 0 : i32
        %swap3A_856 = arith.constant 3 : i32
        %swap3A_857 = arith.index_cast %swap3A_855 : i32 to index
        %swap3A_858 = arith.index_cast %swap3A_856 : i32 to index
        %swap3A_859 = arith.index_cast %scan3A_224 : i32 to index
        %swap3A_860 = arith.constant 112 : index
        %swap3A_861 = tpu.vector_load %arg7[%swap3A_857, %swap3A_858, %swap3A_859, %swap3A_860] {strides = array<i32>} : memref<2x4x50x128xf32, #tpu.memory_space<vmem>>, vector<1x1x1x16xf32>,
        %swap3A_862 = vector.shape_cast %swap3A_861 : vector<1x1x1x16xf32> to vector<16xf32>
        %swap3A_863 = vector.shape_cast %mul3A_854 : vector<16xf32> to vector<1x1x1x16xf32>
        tpu.vector_store %arg7[%swap3A_857, %swap3A_858, %swap3A_859, %swap3A_860], %swap3A_863 {strides = array<i32>} : memref<2x4x50x128xf32, #tpu.memory_space<vmem>>, vector<1x1x1x16xf32>,
        %scan3A_864 = arith.constant 0 : i32
        scf.yield %scan3A_864 : i32
      }
      %scan3A_127 = arith.constant 50 : i32
      %add3A_128 = arith.constant 2 : i32
      %add3A_129 = arith.addi %add3A_92, %add3A_128 : i32
      %lt3A = arith.constant 32 : i32
      %lt3A_130 = arith.cmpi slt, %add3A_129, %lt3A : i32
      %convert_element_type3A_131 = arith.extui %lt3A_130 : i1 to i32
      %cond3A_132 = arith.constant 0 : i32
      %cond3A_133 = arith.cmpi ne, %convert_element_type3A_131, %cond3A_132 : i32
      scf.if %cond3A_133 {
        %add3A_224 = arith.constant 2 : i32
        %add3A_225 = arith.addi %add3A_92, %add3A_224 : i32
        %mul3A_226 = arith.constant 200 : i32
        %mul3A_227 = arith.muli %add3A_225, %mul3A_226 : i32
        %add3A_228 = arith.constant 0 : i32
        %add3A_229 = arith.addi %mul3A_227, %add3A_228 : i32
        %mul3A_230 = arith.constant 200 : i32
        %mul3A_231 = arith.muli %add3A_225, %mul3A_230 : i32
        %add3A_232 = arith.constant 128 : i32
        %add3A_233 = arith.addi %mul3A_231, %add3A_232 : i32
        %dma_start3A_234 = arith.constant 0 : i32
        %dma_start3A_235 = arith.constant 0 : i32
        %dma_start3A_236 = arith.constant 0 : i32
        %dma_start3A_237 = tpu.memref_slice %arg6[%dma_start3A_234, %dma_start3A_235, %dma_start3A_236] : memref<2x200x128xf32, #tpu.memory_space<vmem>> -> memref<1x128x128xf32, #tpu.memory_space<vmem>>
        %dma_start3A_238 = tpu.memref_squeeze %dma_start3A_237 : memref<1x128x128xf32, #tpu.memory_space<vmem>> -> memref<128x128xf32, #tpu.memory_space<vmem>>
        %dma_start3A_239 = tpu.memref_slice %arg5[%add3A_229] : memref<6400xi32, #tpu.memory_space<vmem>> -> memref<128xi32, #tpu.memory_space<vmem>>
        %dma_start3A_240 = arith.constant 0 : i32
        %dma_start3A_241 = arith.constant 0 : i32
        %dma_start3A_242 = tpu.memref_slice %arg3[%dma_start3A_240, %dma_start3A_241] : memref<100000x128xf32, #tpu.memory_space<hbm>> -> memref<100000x128xf32, #tpu.memory_space<hbm>>
        tpu.enqueue_indirect_dma source(%dma_start3A_242 : memref<100000x128xf32, #tpu.memory_space<hbm>>) target(%dma_start3A_238 : memref<128x128xf32, #tpu.memory_space<vmem>>) offsets(%dma_start3A_239 : memref<128xi32, #tpu.memory_space<vmem>>) semaphore(%arg8 : memref<!tpu.dma_semaphore, #tpu.memory_space<semaphore_mem>>)
        %dma_start3A_243 = arith.constant 0 : i32
        %dma_start3A_244 = arith.constant 128 : i32
        %dma_start3A_245 = arith.constant 0 : i32
        %dma_start3A_246 = tpu.memref_slice %arg6[%dma_start3A_243, %dma_start3A_244, %dma_start3A_245] : memref<2x200x128xf32, #tpu.memory_space<vmem>> -> memref<1x72x128xf32, #tpu.memory_space<vmem>>
        %dma_start3A_247 = tpu.memref_squeeze %dma_start3A_246 : memref<1x72x128xf32, #tpu.memory_space<vmem>> -> memref<72x128xf32, #tpu.memory_space<vmem>>
        %dma_start3A_248 = tpu.memref_slice %arg5[%add3A_233] : memref<6400xi32, #tpu.memory_space<vmem>> -> memref<72xi32, #tpu.memory_space<vmem>>
        %dma_start3A_249 = arith.constant 0 : i32
        %dma_start3A_250 = arith.constant 0 : i32
        %dma_start3A_251 = tpu.memref_slice %arg3[%dma_start3A_249, %dma_start3A_250] : memref<100000x128xf32, #tpu.memory_space<hbm>> -> memref<100000x128xf32, #tpu.memory_space<hbm>>
        tpu.enqueue_indirect_dma source(%dma_start3A_251 : memref<100000x128xf32, #tpu.memory_space<hbm>>) target(%dma_start3A_247 : memref<72x128xf32, #tpu.memory_space<vmem>>) offsets(%dma_start3A_248 : memref<72xi32, #tpu.memory_space<vmem>>) semaphore(%arg8 : memref<!tpu.dma_semaphore, #tpu.memory_space<semaphore_mem>>)
      } else {
      }
      %mul3A_134 = arith.constant 4 : i32
      %mul3A_135 = arith.muli %add3A_92, %mul3A_134 : i32
      %add3A_136 = arith.addi %mul3A_4, %mul3A_135 : i32
      %dma_start3A_137 = arith.constant 0 : i32
      %dma_start3A_138 = arith.constant 0 : i32
      %dma_start3A_139 = arith.constant 0 : i32
      %dma_start3A_140 = arith.constant 0 : i32
      %dma_start3A_141 = tpu.memref_slice %arg7[%dma_start3A_137, %dma_start3A_138, %dma_start3A_139, %dma_start3A_140] : memref<2x4x50x128xf32, #tpu.memory_space<vmem>> -> memref<1x4x50x128xf32, #tpu.memory_space<vmem>>
      %dma_start3A_142 = tpu.memref_squeeze %dma_start3A_141 : memref<1x4x50x128xf32, #tpu.memory_space<vmem>> -> memref<4x50x128xf32, #tpu.memory_space<vmem>>
      %dma_start3A_143 = arith.constant 0 : i32
      %dma_start3A_144 = arith.constant 0 : i32
      %dma_start3A_145 = tpu.memref_slice %arg4[%add3A_136, %dma_start3A_143, %dma_start3A_144] : memref<4096x50x128xf32, #tpu.memory_space<hbm>> -> memref<4x50x128xf32, #tpu.memory_space<hbm>>
      %dma_start3A_146 = arith.constant 0 : i32
      %dma_start3A_147 = arith.constant 0 : i32
      %dma_start3A_148 = tpu.memref_slice %arg4[%add3A_136, %dma_start3A_146, %dma_start3A_147] : memref<4096x50x128xf32, #tpu.memory_space<hbm>> -> memref<4x50x128xf32, #tpu.memory_space<hbm>>
      %dma_start3A_149 = arith.constant 0 : i32
      %dma_start3A_150 = arith.constant 0 : i32
      %dma_start3A_151 = arith.constant 0 : i32
      %dma_start3A_152 = tpu.memref_slice %arg7[%dma_start3A_137, %dma_start3A_149, %dma_start3A_150, %dma_start3A_151] : memref<2x4x50x128xf32, #tpu.memory_space<vmem>> -> memref<1x4x50x128xf32, #tpu.memory_space<vmem>>
      %dma_start3A_153 = tpu.memref_squeeze %dma_start3A_152 : memref<1x4x50x128xf32, #tpu.memory_space<vmem>> -> memref<4x50x128xf32, #tpu.memory_space<vmem>>
      tpu.enqueue_dma source(%dma_start3A_153 : memref<4x50x128xf32, #tpu.memory_space<vmem>>) target(%dma_start3A_148 : memref<4x50x128xf32, #tpu.memory_space<hbm>>) target_semaphore(%arg10 : memref<!tpu.dma_semaphore, #tpu.memory_space<semaphore_mem>>)
      %mul3A_154 = arith.constant 2 : i32
      %mul3A_155 = arith.muli %scan3A_87, %mul3A_154 : i32
      %add3A_156 = arith.constant 1 : i32
      %add3A_157 = arith.addi %mul3A_155, %add3A_156 : i32
      %mul3A_158 = arith.constant 200 : i32
      %mul3A_159 = arith.muli %add3A_157, %mul3A_158 : i32
      %add3A_160 = arith.constant 0 : i32
      %add3A_161 = arith.addi %mul3A_159, %add3A_160 : i32
      %mul3A_162 = arith.constant 200 : i32
      %mul3A_163 = arith.muli %add3A_157, %mul3A_162 : i32
      %add3A_164 = arith.constant 128 : i32
      %add3A_165 = arith.addi %mul3A_163, %add3A_164 : i32
      %dma_wait3A_166 = arith.constant 1 : i32
      %dma_wait3A_167 = arith.constant 0 : i32
      %dma_wait3A_168 = arith.constant 0 : i32
      %dma_wait3A_169 = tpu.memref_slice %arg6[%dma_wait3A_166, %dma_wait3A_167, %dma_wait3A_168] : memref<2x200x128xf32, #tpu.memory_space<vmem>> -> memref<1x128x128xf32, #tpu.memory_space<vmem>>
      %dma_wait3A_170 = tpu.memref_squeeze %dma_wait3A_169 : memref<1x128x128xf32, #tpu.memory_space<vmem>> -> memref<128x128xf32, #tpu.memory_space<vmem>>
      %dma_wait3A_171 = tpu.memref_slice %arg5[%add3A_161] : memref<6400xi32, #tpu.memory_space<vmem>> -> memref<128xi32, #tpu.memory_space<vmem>>
      %dma_wait3A_172 = arith.constant 0 : i32
      %dma_wait3A_173 = arith.constant 0 : i32
      %dma_wait3A_174 = tpu.memref_slice %arg3[%dma_wait3A_172, %dma_wait3A_173] : memref<100000x128xf32, #tpu.memory_space<hbm>> -> memref<100000x128xf32, #tpu.memory_space<hbm>>
      tpu.wait_indirect_dma semaphore(%arg9 : memref<!tpu.dma_semaphore, #tpu.memory_space<semaphore_mem>>) src(%dma_wait3A_174 : memref<100000x128xf32, #tpu.memory_space<hbm>>) dst(%dma_wait3A_170 : memref<128x128xf32, #tpu.memory_space<vmem>>)
      %dma_wait3A_175 = arith.constant 1 : i32
      %dma_wait3A_176 = arith.constant 128 : i32
      %dma_wait3A_177 = arith.constant 0 : i32
      %dma_wait3A_178 = tpu.memref_slice %arg6[%dma_wait3A_175, %dma_wait3A_176, %dma_wait3A_177] : memref<2x200x128xf32, #tpu.memory_space<vmem>> -> memref<1x72x128xf32, #tpu.memory_space<vmem>>
      %dma_wait3A_179 = tpu.memref_squeeze %dma_wait3A_178 : memref<1x72x128xf32, #tpu.memory_space<vmem>> -> memref<72x128xf32, #tpu.memory_space<vmem>>
      %dma_wait3A_180 = tpu.memref_slice %arg5[%add3A_165] : memref<6400xi32, #tpu.memory_space<vmem>> -> memref<72xi32, #tpu.memory_space<vmem>>
      %dma_wait3A_181 = arith.constant 0 : i32
      %dma_wait3A_182 = arith.constant 0 : i32
      %dma_wait3A_183 = tpu.memref_slice %arg3[%dma_wait3A_181, %dma_wait3A_182] : memref<100000x128xf32, #tpu.memory_space<hbm>> -> memref<100000x128xf32, #tpu.memory_space<hbm>>
      tpu.wait_indirect_dma semaphore(%arg9 : memref<!tpu.dma_semaphore, #tpu.memory_space<semaphore_mem>>) src(%dma_wait3A_183 : memref<100000x128xf32, #tpu.memory_space<hbm>>) dst(%dma_wait3A_179 : memref<72x128xf32, #tpu.memory_space<vmem>>)
      %gt3A_184 = arith.constant 0 : i32
      %gt3A_185 = arith.cmpi sgt, %scan3A_87, %gt3A_184 : i32
      %convert_element_type3A_186 = arith.extui %gt3A_185 : i1 to i32
      %cond3A_187 = arith.constant 0 : i32
      %cond3A_188 = arith.cmpi ne, %convert_element_type3A_186, %cond3A_187 : i32
      scf.if %cond3A_188 {
        %sub3A = arith.constant 2 : i32
        %sub3A_224 = arith.subi %add3A_157, %sub3A : i32
        %mul3A_225 = arith.constant 4 : i32
        %mul3A_226 = arith.muli %sub3A_224, %mul3A_225 : i32
        %add3A_227 = arith.addi %mul3A_4, %mul3A_226 : i32
        %dma_wait3A_228 = arith.constant 1 : i32
        %dma_wait3A_229 = arith.constant 0 : i32
        %dma_wait3A_230 = arith.constant 0 : i32
        %dma_wait3A_231 = arith.constant 0 : i32
        %dma_wait3A_232 = tpu.memref_slice %arg7[%dma_wait3A_228, %dma_wait3A_229, %dma_wait3A_230, %dma_wait3A_231] : memref<2x4x50x128xf32, #tpu.memory_space<vmem>> -> memref<1x4x50x128xf32, #tpu.memory_space<vmem>>
        %dma_wait3A_233 = tpu.memref_squeeze %dma_wait3A_232 : memref<1x4x50x128xf32, #tpu.memory_space<vmem>> -> memref<4x50x128xf32, #tpu.memory_space<vmem>>
        %dma_wait3A_234 = arith.constant 0 : i32
        %dma_wait3A_235 = arith.constant 0 : i32
        %dma_wait3A_236 = tpu.memref_slice %arg4[%add3A_227, %dma_wait3A_234, %dma_wait3A_235] : memref<4096x50x128xf32, #tpu.memory_space<hbm>> -> memref<4x50x128xf32, #tpu.memory_space<hbm>>
        %dma_wait3A_237 = arith.constant 0 : i32
        %dma_wait3A_238 = arith.constant 0 : i32
        %dma_wait3A_239 = tpu.memref_slice %arg4[%add3A_227, %dma_wait3A_237, %dma_wait3A_238] : memref<4096x50x128xf32, #tpu.memory_space<hbm>> -> memref<4x50x128xf32, #tpu.memory_space<hbm>>
        %dma_wait3A_240 = arith.constant 0 : i32
        %dma_wait3A_241 = arith.constant 0 : i32
        %dma_wait3A_242 = arith.constant 0 : i32
        %dma_wait3A_243 = tpu.memref_slice %arg7[%dma_wait3A_228, %dma_wait3A_240, %dma_wait3A_241, %dma_wait3A_242] : memref<2x4x50x128xf32, #tpu.memory_space<vmem>> -> memref<1x4x50x128xf32, #tpu.memory_space<vmem>>
        %dma_wait3A_244 = tpu.memref_squeeze %dma_wait3A_243 : memref<1x4x50x128xf32, #tpu.memory_space<vmem>> -> memref<4x50x128xf32, #tpu.memory_space<vmem>>
        tpu.wait_dma2 semaphore(%arg11 : memref<!tpu.dma_semaphore, #tpu.memory_space<semaphore_mem>>) src(%dma_wait3A_244 : memref<4x50x128xf32, #tpu.memory_space<vmem>>) dst(%dma_wait3A_239 : memref<4x50x128xf32, #tpu.memory_space<hbm>>)
      } else {
      }
      %scan3A_189 = arith.constant 0 : i32
      %scan3A_190 = arith.constant 0 : i32
      %scan3A_191 = arith.constant 50 : i32
      %scan3A_192 = arith.addi %scan3A_190, %scan3A_191 : i32
      %scan3A_193 = arith.constant 1 : i32
      %scan3A_194 = scf.for %scan3A_224 = %scan3A_190 to %scan3A_192 step %scan3A_193 iter_args(%scan3A_225 = %scan3A_189) -> (i32)  : i32 {
        %add3A_226 = arith.constant 0 : i32
        %add3A_227 = arith.addi %add3A_226, %scan3A_224 : i32
        %get3A = arith.constant 1 : i32
        %get3A_228 = arith.index_cast %get3A : i32 to index
        %get3A_229 = arith.index_cast %add3A_227 : i32 to index
        %get3A_230 = arith.constant 0 : index
        %get3A_231 = tpu.vector_load %arg6[%get3A_228, %get3A_229, %get3A_230] {strides = array<i32>} : memref<2x200x128xf32, #tpu.memory_space<vmem>>, vector<1x1x16xf32>,
        %get3A_232 = vector.shape_cast %get3A_231 : vector<1x1x16xf32> to vector<16xf32>
        %mul3A_233 = arith.constant 11.3137083 : f32
        %mul3A_234 = vector.broadcast %mul3A_233 : f32 to vector<16xf32>
        %mul3A_235 = arith.mulf %get3A_232, %mul3A_234 : vector<16xf32>
        %swap3A = arith.constant 1 : i32
        %swap3A_236 = arith.constant 0 : i32
        %swap3A_237 = arith.index_cast %swap3A : i32 to index
        %swap3A_238 = arith.index_cast %swap3A_236 : i32 to index
        %swap3A_239 = arith.index_cast %scan3A_224 : i32 to index
        %swap3A_240 = arith.constant 0 : index
        %swap3A_241 = tpu.vector_load %arg7[%swap3A_237, %swap3A_238, %swap3A_239, %swap3A_240] {strides = array<i32>} : memref<2x4x50x128xf32, #tpu.memory_space<vmem>>, vector<1x1x1x16xf32>,
        %swap3A_242 = vector.shape_cast %swap3A_241 : vector<1x1x1x16xf32> to vector<16xf32>
        %swap3A_243 = vector.shape_cast %mul3A_235 : vector<16xf32> to vector<1x1x1x16xf32>
        tpu.vector_store %arg7[%swap3A_237, %swap3A_238, %swap3A_239, %swap3A_240], %swap3A_243 {strides = array<i32>} : memref<2x4x50x128xf32, #tpu.memory_space<vmem>>, vector<1x1x1x16xf32>,
        %add3A_244 = arith.constant 0 : i32
        %add3A_245 = arith.addi %add3A_244, %scan3A_224 : i32
        %get3A_246 = arith.constant 1 : i32
        %get3A_247 = arith.index_cast %get3A_246 : i32 to index
        %get3A_248 = arith.index_cast %add3A_245 : i32 to index
        %get3A_249 = arith.constant 16 : index
        %get3A_250 = tpu.vector_load %arg6[%get3A_247, %get3A_248, %get3A_249] {strides = array<i32>} : memref<2x200x128xf32, #tpu.memory_space<vmem>>, vector<1x1x16xf32>,
        %get3A_251 = vector.shape_cast %get3A_250 : vector<1x1x16xf32> to vector<16xf32>
        %mul3A_252 = arith.constant 11.3137083 : f32
        %mul3A_253 = vector.broadcast %mul3A_252 : f32 to vector<16xf32>
        %mul3A_254 = arith.mulf %get3A_251, %mul3A_253 : vector<16xf32>
        %swap3A_255 = arith.constant 1 : i32
        %swap3A_256 = arith.constant 0 : i32
        %swap3A_257 = arith.index_cast %swap3A_255 : i32 to index
        %swap3A_258 = arith.index_cast %swap3A_256 : i32 to index
        %swap3A_259 = arith.index_cast %scan3A_224 : i32 to index
        %swap3A_260 = arith.constant 16 : index
        %swap3A_261 = tpu.vector_load %arg7[%swap3A_257, %swap3A_258, %swap3A_259, %swap3A_260] {strides = array<i32>} : memref<2x4x50x128xf32, #tpu.memory_space<vmem>>, vector<1x1x1x16xf32>,
        %swap3A_262 = vector.shape_cast %swap3A_261 : vector<1x1x1x16xf32> to vector<16xf32>
        %swap3A_263 = vector.shape_cast %mul3A_254 : vector<16xf32> to vector<1x1x1x16xf32>
        tpu.vector_store %arg7[%swap3A_257, %swap3A_258, %swap3A_259, %swap3A_260], %swap3A_263 {strides = array<i32>} : memref<2x4x50x128xf32, #tpu.memory_space<vmem>>, vector<1x1x1x16xf32>,
        %add3A_264 = arith.constant 0 : i32
        %add3A_265 = arith.addi %add3A_264, %scan3A_224 : i32
        %get3A_266 = arith.constant 1 : i32
        %get3A_267 = arith.index_cast %get3A_266 : i32 to index
        %get3A_268 = arith.index_cast %add3A_265 : i32 to index
        %get3A_269 = arith.constant 32 : index
        %get3A_270 = tpu.vector_load %arg6[%get3A_267, %get3A_268, %get3A_269] {strides = array<i32>} : memref<2x200x128xf32, #tpu.memory_space<vmem>>, vector<1x1x16xf32>,
        %get3A_271 = vector.shape_cast %get3A_270 : vector<1x1x16xf32> to vector<16xf32>
        %mul3A_272 = arith.constant 11.3137083 : f32
        %mul3A_273 = vector.broadcast %mul3A_272 : f32 to vector<16xf32>
        %mul3A_274 = arith.mulf %get3A_271, %mul3A_273 : vector<16xf32>
        %swap3A_275 = arith.constant 1 : i32
        %swap3A_276 = arith.constant 0 : i32
        %swap3A_277 = arith.index_cast %swap3A_275 : i32 to index
        %swap3A_278 = arith.index_cast %swap3A_276 : i32 to index
        %swap3A_279 = arith.index_cast %scan3A_224 : i32 to index
        %swap3A_280 = arith.constant 32 : index
        %swap3A_281 = tpu.vector_load %arg7[%swap3A_277, %swap3A_278, %swap3A_279, %swap3A_280] {strides = array<i32>} : memref<2x4x50x128xf32, #tpu.memory_space<vmem>>, vector<1x1x1x16xf32>,
        %swap3A_282 = vector.shape_cast %swap3A_281 : vector<1x1x1x16xf32> to vector<16xf32>
        %swap3A_283 = vector.shape_cast %mul3A_274 : vector<16xf32> to vector<1x1x1x16xf32>
        tpu.vector_store %arg7[%swap3A_277, %swap3A_278, %swap3A_279, %swap3A_280], %swap3A_283 {strides = array<i32>} : memref<2x4x50x128xf32, #tpu.memory_space<vmem>>, vector<1x1x1x16xf32>,
        %add3A_284 = arith.constant 0 : i32
        %add3A_285 = arith.addi %add3A_284, %scan3A_224 : i32
        %get3A_286 = arith.constant 1 : i32
        %get3A_287 = arith.index_cast %get3A_286 : i32 to index
        %get3A_288 = arith.index_cast %add3A_285 : i32 to index
        %get3A_289 = arith.constant 48 : index
        %get3A_290 = tpu.vector_load %arg6[%get3A_287, %get3A_288, %get3A_289] {strides = array<i32>} : memref<2x200x128xf32, #tpu.memory_space<vmem>>, vector<1x1x16xf32>,
        %get3A_291 = vector.shape_cast %get3A_290 : vector<1x1x16xf32> to vector<16xf32>
        %mul3A_292 = arith.constant 11.3137083 : f32
        %mul3A_293 = vector.broadcast %mul3A_292 : f32 to vector<16xf32>
        %mul3A_294 = arith.mulf %get3A_291, %mul3A_293 : vector<16xf32>
        %swap3A_295 = arith.constant 1 : i32
        %swap3A_296 = arith.constant 0 : i32
        %swap3A_297 = arith.index_cast %swap3A_295 : i32 to index
        %swap3A_298 = arith.index_cast %swap3A_296 : i32 to index
        %swap3A_299 = arith.index_cast %scan3A_224 : i32 to index
        %swap3A_300 = arith.constant 48 : index
        %swap3A_301 = tpu.vector_load %arg7[%swap3A_297, %swap3A_298, %swap3A_299, %swap3A_300] {strides = array<i32>} : memref<2x4x50x128xf32, #tpu.memory_space<vmem>>, vector<1x1x1x16xf32>,
        %swap3A_302 = vector.shape_cast %swap3A_301 : vector<1x1x1x16xf32> to vector<16xf32>
        %swap3A_303 = vector.shape_cast %mul3A_294 : vector<16xf32> to vector<1x1x1x16xf32>
        tpu.vector_store %arg7[%swap3A_297, %swap3A_298, %swap3A_299, %swap3A_300], %swap3A_303 {strides = array<i32>} : memref<2x4x50x128xf32, #tpu.memory_space<vmem>>, vector<1x1x1x16xf32>,
        %add3A_304 = arith.constant 0 : i32
        %add3A_305 = arith.addi %add3A_304, %scan3A_224 : i32
        %get3A_306 = arith.constant 1 : i32
        %get3A_307 = arith.index_cast %get3A_306 : i32 to index
        %get3A_308 = arith.index_cast %add3A_305 : i32 to index
        %get3A_309 = arith.constant 64 : index
        %get3A_310 = tpu.vector_load %arg6[%get3A_307, %get3A_308, %get3A_309] {strides = array<i32>} : memref<2x200x128xf32, #tpu.memory_space<vmem>>, vector<1x1x16xf32>,
        %get3A_311 = vector.shape_cast %get3A_310 : vector<1x1x16xf32> to vector<16xf32>
        %mul3A_312 = arith.constant 11.3137083 : f32
        %mul3A_313 = vector.broadcast %mul3A_312 : f32 to vector<16xf32>
        %mul3A_314 = arith.mulf %get3A_311, %mul3A_313 : vector<16xf32>
        %swap3A_315 = arith.constant 1 : i32
        %swap3A_316 = arith.constant 0 : i32
        %swap3A_317 = arith.index_cast %swap3A_315 : i32 to index
        %swap3A_318 = arith.index_cast %swap3A_316 : i32 to index
        %swap3A_319 = arith.index_cast %scan3A_224 : i32 to index
        %swap3A_320 = arith.constant 64 : index
        %swap3A_321 = tpu.vector_load %arg7[%swap3A_317, %swap3A_318, %swap3A_319, %swap3A_320] {strides = array<i32>} : memref<2x4x50x128xf32, #tpu.memory_space<vmem>>, vector<1x1x1x16xf32>,
        %swap3A_322 = vector.shape_cast %swap3A_321 : vector<1x1x1x16xf32> to vector<16xf32>
        %swap3A_323 = vector.shape_cast %mul3A_314 : vector<16xf32> to vector<1x1x1x16xf32>
        tpu.vector_store %arg7[%swap3A_317, %swap3A_318, %swap3A_319, %swap3A_320], %swap3A_323 {strides = array<i32>} : memref<2x4x50x128xf32, #tpu.memory_space<vmem>>, vector<1x1x1x16xf32>,
        %add3A_324 = arith.constant 0 : i32
        %add3A_325 = arith.addi %add3A_324, %scan3A_224 : i32
        %get3A_326 = arith.constant 1 : i32
        %get3A_327 = arith.index_cast %get3A_326 : i32 to index
        %get3A_328 = arith.index_cast %add3A_325 : i32 to index
        %get3A_329 = arith.constant 80 : index
        %get3A_330 = tpu.vector_load %arg6[%get3A_327, %get3A_328, %get3A_329] {strides = array<i32>} : memref<2x200x128xf32, #tpu.memory_space<vmem>>, vector<1x1x16xf32>,
        %get3A_331 = vector.shape_cast %get3A_330 : vector<1x1x16xf32> to vector<16xf32>
        %mul3A_332 = arith.constant 11.3137083 : f32
        %mul3A_333 = vector.broadcast %mul3A_332 : f32 to vector<16xf32>
        %mul3A_334 = arith.mulf %get3A_331, %mul3A_333 : vector<16xf32>
        %swap3A_335 = arith.constant 1 : i32
        %swap3A_336 = arith.constant 0 : i32
        %swap3A_337 = arith.index_cast %swap3A_335 : i32 to index
        %swap3A_338 = arith.index_cast %swap3A_336 : i32 to index
        %swap3A_339 = arith.index_cast %scan3A_224 : i32 to index
        %swap3A_340 = arith.constant 80 : index
        %swap3A_341 = tpu.vector_load %arg7[%swap3A_337, %swap3A_338, %swap3A_339, %swap3A_340] {strides = array<i32>} : memref<2x4x50x128xf32, #tpu.memory_space<vmem>>, vector<1x1x1x16xf32>,
        %swap3A_342 = vector.shape_cast %swap3A_341 : vector<1x1x1x16xf32> to vector<16xf32>
        %swap3A_343 = vector.shape_cast %mul3A_334 : vector<16xf32> to vector<1x1x1x16xf32>
        tpu.vector_store %arg7[%swap3A_337, %swap3A_338, %swap3A_339, %swap3A_340], %swap3A_343 {strides = array<i32>} : memref<2x4x50x128xf32, #tpu.memory_space<vmem>>, vector<1x1x1x16xf32>,
        %add3A_344 = arith.constant 0 : i32
        %add3A_345 = arith.addi %add3A_344, %scan3A_224 : i32
        %get3A_346 = arith.constant 1 : i32
        %get3A_347 = arith.index_cast %get3A_346 : i32 to index
        %get3A_348 = arith.index_cast %add3A_345 : i32 to index
        %get3A_349 = arith.constant 96 : index
        %get3A_350 = tpu.vector_load %arg6[%get3A_347, %get3A_348, %get3A_349] {strides = array<i32>} : memref<2x200x128xf32, #tpu.memory_space<vmem>>, vector<1x1x16xf32>,
        %get3A_351 = vector.shape_cast %get3A_350 : vector<1x1x16xf32> to vector<16xf32>
        %mul3A_352 = arith.constant 11.3137083 : f32
        %mul3A_353 = vector.broadcast %mul3A_352 : f32 to vector<16xf32>
        %mul3A_354 = arith.mulf %get3A_351, %mul3A_353 : vector<16xf32>
        %swap3A_355 = arith.constant 1 : i32
        %swap3A_356 = arith.constant 0 : i32
        %swap3A_357 = arith.index_cast %swap3A_355 : i32 to index
        %swap3A_358 = arith.index_cast %swap3A_356 : i32 to index
        %swap3A_359 = arith.index_cast %scan3A_224 : i32 to index
        %swap3A_360 = arith.constant 96 : index
        %swap3A_361 = tpu.vector_load %arg7[%swap3A_357, %swap3A_358, %swap3A_359, %swap3A_360] {strides = array<i32>} : memref<2x4x50x128xf32, #tpu.memory_space<vmem>>, vector<1x1x1x16xf32>,
        %swap3A_362 = vector.shape_cast %swap3A_361 : vector<1x1x1x16xf32> to vector<16xf32>
        %swap3A_363 = vector.shape_cast %mul3A_354 : vector<16xf32> to vector<1x1x1x16xf32>
        tpu.vector_store %arg7[%swap3A_357, %swap3A_358, %swap3A_359, %swap3A_360], %swap3A_363 {strides = array<i32>} : memref<2x4x50x128xf32, #tpu.memory_space<vmem>>, vector<1x1x1x16xf32>,
        %add3A_364 = arith.constant 0 : i32
        %add3A_365 = arith.addi %add3A_364, %scan3A_224 : i32
        %get3A_366 = arith.constant 1 : i32
        %get3A_367 = arith.index_cast %get3A_366 : i32 to index
        %get3A_368 = arith.index_cast %add3A_365 : i32 to index
        %get3A_369 = arith.constant 112 : index
        %get3A_370 = tpu.vector_load %arg6[%get3A_367, %get3A_368, %get3A_369] {strides = array<i32>} : memref<2x200x128xf32, #tpu.memory_space<vmem>>, vector<1x1x16xf32>,
        %get3A_371 = vector.shape_cast %get3A_370 : vector<1x1x16xf32> to vector<16xf32>
        %mul3A_372 = arith.constant 11.3137083 : f32
        %mul3A_373 = vector.broadcast %mul3A_372 : f32 to vector<16xf32>
        %mul3A_374 = arith.mulf %get3A_371, %mul3A_373 : vector<16xf32>
        %swap3A_375 = arith.constant 1 : i32
        %swap3A_376 = arith.constant 0 : i32
        %swap3A_377 = arith.index_cast %swap3A_375 : i32 to index
        %swap3A_378 = arith.index_cast %swap3A_376 : i32 to index
        %swap3A_379 = arith.index_cast %scan3A_224 : i32 to index
        %swap3A_380 = arith.constant 112 : index
        %swap3A_381 = tpu.vector_load %arg7[%swap3A_377, %swap3A_378, %swap3A_379, %swap3A_380] {strides = array<i32>} : memref<2x4x50x128xf32, #tpu.memory_space<vmem>>, vector<1x1x1x16xf32>,
        %swap3A_382 = vector.shape_cast %swap3A_381 : vector<1x1x1x16xf32> to vector<16xf32>
        %swap3A_383 = vector.shape_cast %mul3A_374 : vector<16xf32> to vector<1x1x1x16xf32>
        tpu.vector_store %arg7[%swap3A_377, %swap3A_378, %swap3A_379, %swap3A_380], %swap3A_383 {strides = array<i32>} : memref<2x4x50x128xf32, #tpu.memory_space<vmem>>, vector<1x1x1x16xf32>,
        %add3A_384 = arith.constant 50 : i32
        %add3A_385 = arith.addi %add3A_384, %scan3A_224 : i32
        %get3A_386 = arith.constant 1 : i32
        %get3A_387 = arith.index_cast %get3A_386 : i32 to index
        %get3A_388 = arith.index_cast %add3A_385 : i32 to index
        %get3A_389 = arith.constant 0 : index
        %get3A_390 = tpu.vector_load %arg6[%get3A_387, %get3A_388, %get3A_389] {strides = array<i32>} : memref<2x200x128xf32, #tpu.memory_space<vmem>>, vector<1x1x16xf32>,
        %get3A_391 = vector.shape_cast %get3A_390 : vector<1x1x16xf32> to vector<16xf32>
        %mul3A_392 = arith.constant 11.3137083 : f32
        %mul3A_393 = vector.broadcast %mul3A_392 : f32 to vector<16xf32>
        %mul3A_394 = arith.mulf %get3A_391, %mul3A_393 : vector<16xf32>
        %swap3A_395 = arith.constant 1 : i32
        %swap3A_396 = arith.constant 1 : i32
        %swap3A_397 = arith.index_cast %swap3A_395 : i32 to index
        %swap3A_398 = arith.index_cast %swap3A_396 : i32 to index
        %swap3A_399 = arith.index_cast %scan3A_224 : i32 to index
        %swap3A_400 = arith.constant 0 : index
        %swap3A_401 = tpu.vector_load %arg7[%swap3A_397, %swap3A_398, %swap3A_399, %swap3A_400] {strides = array<i32>} : memref<2x4x50x128xf32, #tpu.memory_space<vmem>>, vector<1x1x1x16xf32>,
        %swap3A_402 = vector.shape_cast %swap3A_401 : vector<1x1x1x16xf32> to vector<16xf32>
        %swap3A_403 = vector.shape_cast %mul3A_394 : vector<16xf32> to vector<1x1x1x16xf32>
        tpu.vector_store %arg7[%swap3A_397, %swap3A_398, %swap3A_399, %swap3A_400], %swap3A_403 {strides = array<i32>} : memref<2x4x50x128xf32, #tpu.memory_space<vmem>>, vector<1x1x1x16xf32>,
        %add3A_404 = arith.constant 50 : i32
        %add3A_405 = arith.addi %add3A_404, %scan3A_224 : i32
        %get3A_406 = arith.constant 1 : i32
        %get3A_407 = arith.index_cast %get3A_406 : i32 to index
        %get3A_408 = arith.index_cast %add3A_405 : i32 to index
        %get3A_409 = arith.constant 16 : index
        %get3A_410 = tpu.vector_load %arg6[%get3A_407, %get3A_408, %get3A_409] {strides = array<i32>} : memref<2x200x128xf32, #tpu.memory_space<vmem>>, vector<1x1x16xf32>,
        %get3A_411 = vector.shape_cast %get3A_410 : vector<1x1x16xf32> to vector<16xf32>
        %mul3A_412 = arith.constant 11.3137083 : f32
        %mul3A_413 = vector.broadcast %mul3A_412 : f32 to vector<16xf32>
        %mul3A_414 = arith.mulf %get3A_411, %mul3A_413 : vector<16xf32>
        %swap3A_415 = arith.constant 1 : i32
        %swap3A_416 = arith.constant 1 : i32
        %swap3A_417 = arith.index_cast %swap3A_415 : i32 to index
        %swap3A_418 = arith.index_cast %swap3A_416 : i32 to index
        %swap3A_419 = arith.index_cast %scan3A_224 : i32 to index
        %swap3A_420 = arith.constant 16 : index
        %swap3A_421 = tpu.vector_load %arg7[%swap3A_417, %swap3A_418, %swap3A_419, %swap3A_420] {strides = array<i32>} : memref<2x4x50x128xf32, #tpu.memory_space<vmem>>, vector<1x1x1x16xf32>,
        %swap3A_422 = vector.shape_cast %swap3A_421 : vector<1x1x1x16xf32> to vector<16xf32>
        %swap3A_423 = vector.shape_cast %mul3A_414 : vector<16xf32> to vector<1x1x1x16xf32>
        tpu.vector_store %arg7[%swap3A_417, %swap3A_418, %swap3A_419, %swap3A_420], %swap3A_423 {strides = array<i32>} : memref<2x4x50x128xf32, #tpu.memory_space<vmem>>, vector<1x1x1x16xf32>,
        %add3A_424 = arith.constant 50 : i32
        %add3A_425 = arith.addi %add3A_424, %scan3A_224 : i32
        %get3A_426 = arith.constant 1 : i32
        %get3A_427 = arith.index_cast %get3A_426 : i32 to index
        %get3A_428 = arith.index_cast %add3A_425 : i32 to index
        %get3A_429 = arith.constant 32 : index
        %get3A_430 = tpu.vector_load %arg6[%get3A_427, %get3A_428, %get3A_429] {strides = array<i32>} : memref<2x200x128xf32, #tpu.memory_space<vmem>>, vector<1x1x16xf32>,
        %get3A_431 = vector.shape_cast %get3A_430 : vector<1x1x16xf32> to vector<16xf32>
        %mul3A_432 = arith.constant 11.3137083 : f32
        %mul3A_433 = vector.broadcast %mul3A_432 : f32 to vector<16xf32>
        %mul3A_434 = arith.mulf %get3A_431, %mul3A_433 : vector<16xf32>
        %swap3A_435 = arith.constant 1 : i32
        %swap3A_436 = arith.constant 1 : i32
        %swap3A_437 = arith.index_cast %swap3A_435 : i32 to index
        %swap3A_438 = arith.index_cast %swap3A_436 : i32 to index
        %swap3A_439 = arith.index_cast %scan3A_224 : i32 to index
        %swap3A_440 = arith.constant 32 : index
        %swap3A_441 = tpu.vector_load %arg7[%swap3A_437, %swap3A_438, %swap3A_439, %swap3A_440] {strides = array<i32>} : memref<2x4x50x128xf32, #tpu.memory_space<vmem>>, vector<1x1x1x16xf32>,
        %swap3A_442 = vector.shape_cast %swap3A_441 : vector<1x1x1x16xf32> to vector<16xf32>
        %swap3A_443 = vector.shape_cast %mul3A_434 : vector<16xf32> to vector<1x1x1x16xf32>
        tpu.vector_store %arg7[%swap3A_437, %swap3A_438, %swap3A_439, %swap3A_440], %swap3A_443 {strides = array<i32>} : memref<2x4x50x128xf32, #tpu.memory_space<vmem>>, vector<1x1x1x16xf32>,
        %add3A_444 = arith.constant 50 : i32
        %add3A_445 = arith.addi %add3A_444, %scan3A_224 : i32
        %get3A_446 = arith.constant 1 : i32
        %get3A_447 = arith.index_cast %get3A_446 : i32 to index
        %get3A_448 = arith.index_cast %add3A_445 : i32 to index
        %get3A_449 = arith.constant 48 : index
        %get3A_450 = tpu.vector_load %arg6[%get3A_447, %get3A_448, %get3A_449] {strides = array<i32>} : memref<2x200x128xf32, #tpu.memory_space<vmem>>, vector<1x1x16xf32>,
        %get3A_451 = vector.shape_cast %get3A_450 : vector<1x1x16xf32> to vector<16xf32>
        %mul3A_452 = arith.constant 11.3137083 : f32
        %mul3A_453 = vector.broadcast %mul3A_452 : f32 to vector<16xf32>
        %mul3A_454 = arith.mulf %get3A_451, %mul3A_453 : vector<16xf32>
        %swap3A_455 = arith.constant 1 : i32
        %swap3A_456 = arith.constant 1 : i32
        %swap3A_457 = arith.index_cast %swap3A_455 : i32 to index
        %swap3A_458 = arith.index_cast %swap3A_456 : i32 to index
        %swap3A_459 = arith.index_cast %scan3A_224 : i32 to index
        %swap3A_460 = arith.constant 48 : index
        %swap3A_461 = tpu.vector_load %arg7[%swap3A_457, %swap3A_458, %swap3A_459, %swap3A_460] {strides = array<i32>} : memref<2x4x50x128xf32, #tpu.memory_space<vmem>>, vector<1x1x1x16xf32>,
        %swap3A_462 = vector.shape_cast %swap3A_461 : vector<1x1x1x16xf32> to vector<16xf32>
        %swap3A_463 = vector.shape_cast %mul3A_454 : vector<16xf32> to vector<1x1x1x16xf32>
        tpu.vector_store %arg7[%swap3A_457, %swap3A_458, %swap3A_459, %swap3A_460], %swap3A_463 {strides = array<i32>} : memref<2x4x50x128xf32, #tpu.memory_space<vmem>>, vector<1x1x1x16xf32>,
        %add3A_464 = arith.constant 50 : i32
        %add3A_465 = arith.addi %add3A_464, %scan3A_224 : i32
        %get3A_466 = arith.constant 1 : i32
        %get3A_467 = arith.index_cast %get3A_466 : i32 to index
        %get3A_468 = arith.index_cast %add3A_465 : i32 to index
        %get3A_469 = arith.constant 64 : index
        %get3A_470 = tpu.vector_load %arg6[%get3A_467, %get3A_468, %get3A_469] {strides = array<i32>} : memref<2x200x128xf32, #tpu.memory_space<vmem>>, vector<1x1x16xf32>,
        %get3A_471 = vector.shape_cast %get3A_470 : vector<1x1x16xf32> to vector<16xf32>
        %mul3A_472 = arith.constant 11.3137083 : f32
        %mul3A_473 = vector.broadcast %mul3A_472 : f32 to vector<16xf32>
        %mul3A_474 = arith.mulf %get3A_471, %mul3A_473 : vector<16xf32>
        %swap3A_475 = arith.constant 1 : i32
        %swap3A_476 = arith.constant 1 : i32
        %swap3A_477 = arith.index_cast %swap3A_475 : i32 to index
        %swap3A_478 = arith.index_cast %swap3A_476 : i32 to index
        %swap3A_479 = arith.index_cast %scan3A_224 : i32 to index
        %swap3A_480 = arith.constant 64 : index
        %swap3A_481 = tpu.vector_load %arg7[%swap3A_477, %swap3A_478, %swap3A_479, %swap3A_480] {strides = array<i32>} : memref<2x4x50x128xf32, #tpu.memory_space<vmem>>, vector<1x1x1x16xf32>,
        %swap3A_482 = vector.shape_cast %swap3A_481 : vector<1x1x1x16xf32> to vector<16xf32>
        %swap3A_483 = vector.shape_cast %mul3A_474 : vector<16xf32> to vector<1x1x1x16xf32>
        tpu.vector_store %arg7[%swap3A_477, %swap3A_478, %swap3A_479, %swap3A_480], %swap3A_483 {strides = array<i32>} : memref<2x4x50x128xf32, #tpu.memory_space<vmem>>, vector<1x1x1x16xf32>,
        %add3A_484 = arith.constant 50 : i32
        %add3A_485 = arith.addi %add3A_484, %scan3A_224 : i32
        %get3A_486 = arith.constant 1 : i32
        %get3A_487 = arith.index_cast %get3A_486 : i32 to index
        %get3A_488 = arith.index_cast %add3A_485 : i32 to index
        %get3A_489 = arith.constant 80 : index
        %get3A_490 = tpu.vector_load %arg6[%get3A_487, %get3A_488, %get3A_489] {strides = array<i32>} : memref<2x200x128xf32, #tpu.memory_space<vmem>>, vector<1x1x16xf32>,
        %get3A_491 = vector.shape_cast %get3A_490 : vector<1x1x16xf32> to vector<16xf32>
        %mul3A_492 = arith.constant 11.3137083 : f32
        %mul3A_493 = vector.broadcast %mul3A_492 : f32 to vector<16xf32>
        %mul3A_494 = arith.mulf %get3A_491, %mul3A_493 : vector<16xf32>
        %swap3A_495 = arith.constant 1 : i32
        %swap3A_496 = arith.constant 1 : i32
        %swap3A_497 = arith.index_cast %swap3A_495 : i32 to index
        %swap3A_498 = arith.index_cast %swap3A_496 : i32 to index
        %swap3A_499 = arith.index_cast %scan3A_224 : i32 to index
        %swap3A_500 = arith.constant 80 : index
        %swap3A_501 = tpu.vector_load %arg7[%swap3A_497, %swap3A_498, %swap3A_499, %swap3A_500] {strides = array<i32>} : memref<2x4x50x128xf32, #tpu.memory_space<vmem>>, vector<1x1x1x16xf32>,
        %swap3A_502 = vector.shape_cast %swap3A_501 : vector<1x1x1x16xf32> to vector<16xf32>
        %swap3A_503 = vector.shape_cast %mul3A_494 : vector<16xf32> to vector<1x1x1x16xf32>
        tpu.vector_store %arg7[%swap3A_497, %swap3A_498, %swap3A_499, %swap3A_500], %swap3A_503 {strides = array<i32>} : memref<2x4x50x128xf32, #tpu.memory_space<vmem>>, vector<1x1x1x16xf32>,
        %add3A_504 = arith.constant 50 : i32
        %add3A_505 = arith.addi %add3A_504, %scan3A_224 : i32
        %get3A_506 = arith.constant 1 : i32
        %get3A_507 = arith.index_cast %get3A_506 : i32 to index
        %get3A_508 = arith.index_cast %add3A_505 : i32 to index
        %get3A_509 = arith.constant 96 : index
        %get3A_510 = tpu.vector_load %arg6[%get3A_507, %get3A_508, %get3A_509] {strides = array<i32>} : memref<2x200x128xf32, #tpu.memory_space<vmem>>, vector<1x1x16xf32>,
        %get3A_511 = vector.shape_cast %get3A_510 : vector<1x1x16xf32> to vector<16xf32>
        %mul3A_512 = arith.constant 11.3137083 : f32
        %mul3A_513 = vector.broadcast %mul3A_512 : f32 to vector<16xf32>
        %mul3A_514 = arith.mulf %get3A_511, %mul3A_513 : vector<16xf32>
        %swap3A_515 = arith.constant 1 : i32
        %swap3A_516 = arith.constant 1 : i32
        %swap3A_517 = arith.index_cast %swap3A_515 : i32 to index
        %swap3A_518 = arith.index_cast %swap3A_516 : i32 to index
        %swap3A_519 = arith.index_cast %scan3A_224 : i32 to index
        %swap3A_520 = arith.constant 96 : index
        %swap3A_521 = tpu.vector_load %arg7[%swap3A_517, %swap3A_518, %swap3A_519, %swap3A_520] {strides = array<i32>} : memref<2x4x50x128xf32, #tpu.memory_space<vmem>>, vector<1x1x1x16xf32>,
        %swap3A_522 = vector.shape_cast %swap3A_521 : vector<1x1x1x16xf32> to vector<16xf32>
        %swap3A_523 = vector.shape_cast %mul3A_514 : vector<16xf32> to vector<1x1x1x16xf32>
        tpu.vector_store %arg7[%swap3A_517, %swap3A_518, %swap3A_519, %swap3A_520], %swap3A_523 {strides = array<i32>} : memref<2x4x50x128xf32, #tpu.memory_space<vmem>>, vector<1x1x1x16xf32>,
        %add3A_524 = arith.constant 50 : i32
        %add3A_525 = arith.addi %add3A_524, %scan3A_224 : i32
        %get3A_526 = arith.constant 1 : i32
        %get3A_527 = arith.index_cast %get3A_526 : i32 to index
        %get3A_528 = arith.index_cast %add3A_525 : i32 to index
        %get3A_529 = arith.constant 112 : index
        %get3A_530 = tpu.vector_load %arg6[%get3A_527, %get3A_528, %get3A_529] {strides = array<i32>} : memref<2x200x128xf32, #tpu.memory_space<vmem>>, vector<1x1x16xf32>,
        %get3A_531 = vector.shape_cast %get3A_530 : vector<1x1x16xf32> to vector<16xf32>
        %mul3A_532 = arith.constant 11.3137083 : f32
        %mul3A_533 = vector.broadcast %mul3A_532 : f32 to vector<16xf32>
        %mul3A_534 = arith.mulf %get3A_531, %mul3A_533 : vector<16xf32>
        %swap3A_535 = arith.constant 1 : i32
        %swap3A_536 = arith.constant 1 : i32
        %swap3A_537 = arith.index_cast %swap3A_535 : i32 to index
        %swap3A_538 = arith.index_cast %swap3A_536 : i32 to index
        %swap3A_539 = arith.index_cast %scan3A_224 : i32 to index
        %swap3A_540 = arith.constant 112 : index
        %swap3A_541 = tpu.vector_load %arg7[%swap3A_537, %swap3A_538, %swap3A_539, %swap3A_540] {strides = array<i32>} : memref<2x4x50x128xf32, #tpu.memory_space<vmem>>, vector<1x1x1x16xf32>,
        %swap3A_542 = vector.shape_cast %swap3A_541 : vector<1x1x1x16xf32> to vector<16xf32>
        %swap3A_543 = vector.shape_cast %mul3A_534 : vector<16xf32> to vector<1x1x1x16xf32>
        tpu.vector_store %arg7[%swap3A_537, %swap3A_538, %swap3A_539, %swap3A_540], %swap3A_543 {strides = array<i32>} : memref<2x4x50x128xf32, #tpu.memory_space<vmem>>, vector<1x1x1x16xf32>,
        %add3A_544 = arith.constant 100 : i32
        %add3A_545 = arith.addi %add3A_544, %scan3A_224 : i32
        %get3A_546 = arith.constant 1 : i32
        %get3A_547 = arith.index_cast %get3A_546 : i32 to index
        %get3A_548 = arith.index_cast %add3A_545 : i32 to index
        %get3A_549 = arith.constant 0 : index
        %get3A_550 = tpu.vector_load %arg6[%get3A_547, %get3A_548, %get3A_549] {strides = array<i32>} : memref<2x200x128xf32, #tpu.memory_space<vmem>>, vector<1x1x16xf32>,
        %get3A_551 = vector.shape_cast %get3A_550 : vector<1x1x16xf32> to vector<16xf32>
        %mul3A_552 = arith.constant 11.3137083 : f32
        %mul3A_553 = vector.broadcast %mul3A_552 : f32 to vector<16xf32>
        %mul3A_554 = arith.mulf %get3A_551, %mul3A_553 : vector<16xf32>
        %swap3A_555 = arith.constant 1 : i32
        %swap3A_556 = arith.constant 2 : i32
        %swap3A_557 = arith.index_cast %swap3A_555 : i32 to index
        %swap3A_558 = arith.index_cast %swap3A_556 : i32 to index
        %swap3A_559 = arith.index_cast %scan3A_224 : i32 to index
        %swap3A_560 = arith.constant 0 : index
        %swap3A_561 = tpu.vector_load %arg7[%swap3A_557, %swap3A_558, %swap3A_559, %swap3A_560] {strides = array<i32>} : memref<2x4x50x128xf32, #tpu.memory_space<vmem>>, vector<1x1x1x16xf32>,
        %swap3A_562 = vector.shape_cast %swap3A_561 : vector<1x1x1x16xf32> to vector<16xf32>
        %swap3A_563 = vector.shape_cast %mul3A_554 : vector<16xf32> to vector<1x1x1x16xf32>
        tpu.vector_store %arg7[%swap3A_557, %swap3A_558, %swap3A_559, %swap3A_560], %swap3A_563 {strides = array<i32>} : memref<2x4x50x128xf32, #tpu.memory_space<vmem>>, vector<1x1x1x16xf32>,
        %add3A_564 = arith.constant 100 : i32
        %add3A_565 = arith.addi %add3A_564, %scan3A_224 : i32
        %get3A_566 = arith.constant 1 : i32
        %get3A_567 = arith.index_cast %get3A_566 : i32 to index
        %get3A_568 = arith.index_cast %add3A_565 : i32 to index
        %get3A_569 = arith.constant 16 : index
        %get3A_570 = tpu.vector_load %arg6[%get3A_567, %get3A_568, %get3A_569] {strides = array<i32>} : memref<2x200x128xf32, #tpu.memory_space<vmem>>, vector<1x1x16xf32>,
        %get3A_571 = vector.shape_cast %get3A_570 : vector<1x1x16xf32> to vector<16xf32>
        %mul3A_572 = arith.constant 11.3137083 : f32
        %mul3A_573 = vector.broadcast %mul3A_572 : f32 to vector<16xf32>
        %mul3A_574 = arith.mulf %get3A_571, %mul3A_573 : vector<16xf32>
        %swap3A_575 = arith.constant 1 : i32
        %swap3A_576 = arith.constant 2 : i32
        %swap3A_577 = arith.index_cast %swap3A_575 : i32 to index
        %swap3A_578 = arith.index_cast %swap3A_576 : i32 to index
        %swap3A_579 = arith.index_cast %scan3A_224 : i32 to index
        %swap3A_580 = arith.constant 16 : index
        %swap3A_581 = tpu.vector_load %arg7[%swap3A_577, %swap3A_578, %swap3A_579, %swap3A_580] {strides = array<i32>} : memref<2x4x50x128xf32, #tpu.memory_space<vmem>>, vector<1x1x1x16xf32>,
        %swap3A_582 = vector.shape_cast %swap3A_581 : vector<1x1x1x16xf32> to vector<16xf32>
        %swap3A_583 = vector.shape_cast %mul3A_574 : vector<16xf32> to vector<1x1x1x16xf32>
        tpu.vector_store %arg7[%swap3A_577, %swap3A_578, %swap3A_579, %swap3A_580], %swap3A_583 {strides = array<i32>} : memref<2x4x50x128xf32, #tpu.memory_space<vmem>>, vector<1x1x1x16xf32>,
        %add3A_584 = arith.constant 100 : i32
        %add3A_585 = arith.addi %add3A_584, %scan3A_224 : i32
        %get3A_586 = arith.constant 1 : i32
        %get3A_587 = arith.index_cast %get3A_586 : i32 to index
        %get3A_588 = arith.index_cast %add3A_585 : i32 to index
        %get3A_589 = arith.constant 32 : index
        %get3A_590 = tpu.vector_load %arg6[%get3A_587, %get3A_588, %get3A_589] {strides = array<i32>} : memref<2x200x128xf32, #tpu.memory_space<vmem>>, vector<1x1x16xf32>,
        %get3A_591 = vector.shape_cast %get3A_590 : vector<1x1x16xf32> to vector<16xf32>
        %mul3A_592 = arith.constant 11.3137083 : f32
        %mul3A_593 = vector.broadcast %mul3A_592 : f32 to vector<16xf32>
        %mul3A_594 = arith.mulf %get3A_591, %mul3A_593 : vector<16xf32>
        %swap3A_595 = arith.constant 1 : i32
        %swap3A_596 = arith.constant 2 : i32
        %swap3A_597 = arith.index_cast %swap3A_595 : i32 to index
        %swap3A_598 = arith.index_cast %swap3A_596 : i32 to index
        %swap3A_599 = arith.index_cast %scan3A_224 : i32 to index
        %swap3A_600 = arith.constant 32 : index
        %swap3A_601 = tpu.vector_load %arg7[%swap3A_597, %swap3A_598, %swap3A_599, %swap3A_600] {strides = array<i32>} : memref<2x4x50x128xf32, #tpu.memory_space<vmem>>, vector<1x1x1x16xf32>,
        %swap3A_602 = vector.shape_cast %swap3A_601 : vector<1x1x1x16xf32> to vector<16xf32>
        %swap3A_603 = vector.shape_cast %mul3A_594 : vector<16xf32> to vector<1x1x1x16xf32>
        tpu.vector_store %arg7[%swap3A_597, %swap3A_598, %swap3A_599, %swap3A_600], %swap3A_603 {strides = array<i32>} : memref<2x4x50x128xf32, #tpu.memory_space<vmem>>, vector<1x1x1x16xf32>,
        %add3A_604 = arith.constant 100 : i32
        %add3A_605 = arith.addi %add3A_604, %scan3A_224 : i32
        %get3A_606 = arith.constant 1 : i32
        %get3A_607 = arith.index_cast %get3A_606 : i32 to index
        %get3A_608 = arith.index_cast %add3A_605 : i32 to index
        %get3A_609 = arith.constant 48 : index
        %get3A_610 = tpu.vector_load %arg6[%get3A_607, %get3A_608, %get3A_609] {strides = array<i32>} : memref<2x200x128xf32, #tpu.memory_space<vmem>>, vector<1x1x16xf32>,
        %get3A_611 = vector.shape_cast %get3A_610 : vector<1x1x16xf32> to vector<16xf32>
        %mul3A_612 = arith.constant 11.3137083 : f32
        %mul3A_613 = vector.broadcast %mul3A_612 : f32 to vector<16xf32>
        %mul3A_614 = arith.mulf %get3A_611, %mul3A_613 : vector<16xf32>
        %swap3A_615 = arith.constant 1 : i32
        %swap3A_616 = arith.constant 2 : i32
        %swap3A_617 = arith.index_cast %swap3A_615 : i32 to index
        %swap3A_618 = arith.index_cast %swap3A_616 : i32 to index
        %swap3A_619 = arith.index_cast %scan3A_224 : i32 to index
        %swap3A_620 = arith.constant 48 : index
        %swap3A_621 = tpu.vector_load %arg7[%swap3A_617, %swap3A_618, %swap3A_619, %swap3A_620] {strides = array<i32>} : memref<2x4x50x128xf32, #tpu.memory_space<vmem>>, vector<1x1x1x16xf32>,
        %swap3A_622 = vector.shape_cast %swap3A_621 : vector<1x1x1x16xf32> to vector<16xf32>
        %swap3A_623 = vector.shape_cast %mul3A_614 : vector<16xf32> to vector<1x1x1x16xf32>
        tpu.vector_store %arg7[%swap3A_617, %swap3A_618, %swap3A_619, %swap3A_620], %swap3A_623 {strides = array<i32>} : memref<2x4x50x128xf32, #tpu.memory_space<vmem>>, vector<1x1x1x16xf32>,
        %add3A_624 = arith.constant 100 : i32
        %add3A_625 = arith.addi %add3A_624, %scan3A_224 : i32
        %get3A_626 = arith.constant 1 : i32
        %get3A_627 = arith.index_cast %get3A_626 : i32 to index
        %get3A_628 = arith.index_cast %add3A_625 : i32 to index
        %get3A_629 = arith.constant 64 : index
        %get3A_630 = tpu.vector_load %arg6[%get3A_627, %get3A_628, %get3A_629] {strides = array<i32>} : memref<2x200x128xf32, #tpu.memory_space<vmem>>, vector<1x1x16xf32>,
        %get3A_631 = vector.shape_cast %get3A_630 : vector<1x1x16xf32> to vector<16xf32>
        %mul3A_632 = arith.constant 11.3137083 : f32
        %mul3A_633 = vector.broadcast %mul3A_632 : f32 to vector<16xf32>
        %mul3A_634 = arith.mulf %get3A_631, %mul3A_633 : vector<16xf32>
        %swap3A_635 = arith.constant 1 : i32
        %swap3A_636 = arith.constant 2 : i32
        %swap3A_637 = arith.index_cast %swap3A_635 : i32 to index
        %swap3A_638 = arith.index_cast %swap3A_636 : i32 to index
        %swap3A_639 = arith.index_cast %scan3A_224 : i32 to index
        %swap3A_640 = arith.constant 64 : index
        %swap3A_641 = tpu.vector_load %arg7[%swap3A_637, %swap3A_638, %swap3A_639, %swap3A_640] {strides = array<i32>} : memref<2x4x50x128xf32, #tpu.memory_space<vmem>>, vector<1x1x1x16xf32>,
        %swap3A_642 = vector.shape_cast %swap3A_641 : vector<1x1x1x16xf32> to vector<16xf32>
        %swap3A_643 = vector.shape_cast %mul3A_634 : vector<16xf32> to vector<1x1x1x16xf32>
        tpu.vector_store %arg7[%swap3A_637, %swap3A_638, %swap3A_639, %swap3A_640], %swap3A_643 {strides = array<i32>} : memref<2x4x50x128xf32, #tpu.memory_space<vmem>>, vector<1x1x1x16xf32>,
        %add3A_644 = arith.constant 100 : i32
        %add3A_645 = arith.addi %add3A_644, %scan3A_224 : i32
        %get3A_646 = arith.constant 1 : i32
        %get3A_647 = arith.index_cast %get3A_646 : i32 to index
        %get3A_648 = arith.index_cast %add3A_645 : i32 to index
        %get3A_649 = arith.constant 80 : index
        %get3A_650 = tpu.vector_load %arg6[%get3A_647, %get3A_648, %get3A_649] {strides = array<i32>} : memref<2x200x128xf32, #tpu.memory_space<vmem>>, vector<1x1x16xf32>,
        %get3A_651 = vector.shape_cast %get3A_650 : vector<1x1x16xf32> to vector<16xf32>
        %mul3A_652 = arith.constant 11.3137083 : f32
        %mul3A_653 = vector.broadcast %mul3A_652 : f32 to vector<16xf32>
        %mul3A_654 = arith.mulf %get3A_651, %mul3A_653 : vector<16xf32>
        %swap3A_655 = arith.constant 1 : i32
        %swap3A_656 = arith.constant 2 : i32
        %swap3A_657 = arith.index_cast %swap3A_655 : i32 to index
        %swap3A_658 = arith.index_cast %swap3A_656 : i32 to index
        %swap3A_659 = arith.index_cast %scan3A_224 : i32 to index
        %swap3A_660 = arith.constant 80 : index
        %swap3A_661 = tpu.vector_load %arg7[%swap3A_657, %swap3A_658, %swap3A_659, %swap3A_660] {strides = array<i32>} : memref<2x4x50x128xf32, #tpu.memory_space<vmem>>, vector<1x1x1x16xf32>,
        %swap3A_662 = vector.shape_cast %swap3A_661 : vector<1x1x1x16xf32> to vector<16xf32>
        %swap3A_663 = vector.shape_cast %mul3A_654 : vector<16xf32> to vector<1x1x1x16xf32>
        tpu.vector_store %arg7[%swap3A_657, %swap3A_658, %swap3A_659, %swap3A_660], %swap3A_663 {strides = array<i32>} : memref<2x4x50x128xf32, #tpu.memory_space<vmem>>, vector<1x1x1x16xf32>,
        %add3A_664 = arith.constant 100 : i32
        %add3A_665 = arith.addi %add3A_664, %scan3A_224 : i32
        %get3A_666 = arith.constant 1 : i32
        %get3A_667 = arith.index_cast %get3A_666 : i32 to index
        %get3A_668 = arith.index_cast %add3A_665 : i32 to index
        %get3A_669 = arith.constant 96 : index
        %get3A_670 = tpu.vector_load %arg6[%get3A_667, %get3A_668, %get3A_669] {strides = array<i32>} : memref<2x200x128xf32, #tpu.memory_space<vmem>>, vector<1x1x16xf32>,
        %get3A_671 = vector.shape_cast %get3A_670 : vector<1x1x16xf32> to vector<16xf32>
        %mul3A_672 = arith.constant 11.3137083 : f32
        %mul3A_673 = vector.broadcast %mul3A_672 : f32 to vector<16xf32>
        %mul3A_674 = arith.mulf %get3A_671, %mul3A_673 : vector<16xf32>
        %swap3A_675 = arith.constant 1 : i32
        %swap3A_676 = arith.constant 2 : i32
        %swap3A_677 = arith.index_cast %swap3A_675 : i32 to index
        %swap3A_678 = arith.index_cast %swap3A_676 : i32 to index
        %swap3A_679 = arith.index_cast %scan3A_224 : i32 to index
        %swap3A_680 = arith.constant 96 : index
        %swap3A_681 = tpu.vector_load %arg7[%swap3A_677, %swap3A_678, %swap3A_679, %swap3A_680] {strides = array<i32>} : memref<2x4x50x128xf32, #tpu.memory_space<vmem>>, vector<1x1x1x16xf32>,
        %swap3A_682 = vector.shape_cast %swap3A_681 : vector<1x1x1x16xf32> to vector<16xf32>
        %swap3A_683 = vector.shape_cast %mul3A_674 : vector<16xf32> to vector<1x1x1x16xf32>
        tpu.vector_store %arg7[%swap3A_677, %swap3A_678, %swap3A_679, %swap3A_680], %swap3A_683 {strides = array<i32>} : memref<2x4x50x128xf32, #tpu.memory_space<vmem>>, vector<1x1x1x16xf32>,
        %add3A_684 = arith.constant 100 : i32
        %add3A_685 = arith.addi %add3A_684, %scan3A_224 : i32
        %get3A_686 = arith.constant 1 : i32
        %get3A_687 = arith.index_cast %get3A_686 : i32 to index
        %get3A_688 = arith.index_cast %add3A_685 : i32 to index
        %get3A_689 = arith.constant 112 : index
        %get3A_690 = tpu.vector_load %arg6[%get3A_687, %get3A_688, %get3A_689] {strides = array<i32>} : memref<2x200x128xf32, #tpu.memory_space<vmem>>, vector<1x1x16xf32>,
        %get3A_691 = vector.shape_cast %get3A_690 : vector<1x1x16xf32> to vector<16xf32>
        %mul3A_692 = arith.constant 11.3137083 : f32
        %mul3A_693 = vector.broadcast %mul3A_692 : f32 to vector<16xf32>
        %mul3A_694 = arith.mulf %get3A_691, %mul3A_693 : vector<16xf32>
        %swap3A_695 = arith.constant 1 : i32
        %swap3A_696 = arith.constant 2 : i32
        %swap3A_697 = arith.index_cast %swap3A_695 : i32 to index
        %swap3A_698 = arith.index_cast %swap3A_696 : i32 to index
        %swap3A_699 = arith.index_cast %scan3A_224 : i32 to index
        %swap3A_700 = arith.constant 112 : index
        %swap3A_701 = tpu.vector_load %arg7[%swap3A_697, %swap3A_698, %swap3A_699, %swap3A_700] {strides = array<i32>} : memref<2x4x50x128xf32, #tpu.memory_space<vmem>>, vector<1x1x1x16xf32>,
        %swap3A_702 = vector.shape_cast %swap3A_701 : vector<1x1x1x16xf32> to vector<16xf32>
        %swap3A_703 = vector.shape_cast %mul3A_694 : vector<16xf32> to vector<1x1x1x16xf32>
        tpu.vector_store %arg7[%swap3A_697, %swap3A_698, %swap3A_699, %swap3A_700], %swap3A_703 {strides = array<i32>} : memref<2x4x50x128xf32, #tpu.memory_space<vmem>>, vector<1x1x1x16xf32>,
        %add3A_704 = arith.constant 150 : i32
        %add3A_705 = arith.addi %add3A_704, %scan3A_224 : i32
        %get3A_706 = arith.constant 1 : i32
        %get3A_707 = arith.index_cast %get3A_706 : i32 to index
        %get3A_708 = arith.index_cast %add3A_705 : i32 to index
        %get3A_709 = arith.constant 0 : index
        %get3A_710 = tpu.vector_load %arg6[%get3A_707, %get3A_708, %get3A_709] {strides = array<i32>} : memref<2x200x128xf32, #tpu.memory_space<vmem>>, vector<1x1x16xf32>,
        %get3A_711 = vector.shape_cast %get3A_710 : vector<1x1x16xf32> to vector<16xf32>
        %mul3A_712 = arith.constant 11.3137083 : f32
        %mul3A_713 = vector.broadcast %mul3A_712 : f32 to vector<16xf32>
        %mul3A_714 = arith.mulf %get3A_711, %mul3A_713 : vector<16xf32>
        %swap3A_715 = arith.constant 1 : i32
        %swap3A_716 = arith.constant 3 : i32
        %swap3A_717 = arith.index_cast %swap3A_715 : i32 to index
        %swap3A_718 = arith.index_cast %swap3A_716 : i32 to index
        %swap3A_719 = arith.index_cast %scan3A_224 : i32 to index
        %swap3A_720 = arith.constant 0 : index
        %swap3A_721 = tpu.vector_load %arg7[%swap3A_717, %swap3A_718, %swap3A_719, %swap3A_720] {strides = array<i32>} : memref<2x4x50x128xf32, #tpu.memory_space<vmem>>, vector<1x1x1x16xf32>,
        %swap3A_722 = vector.shape_cast %swap3A_721 : vector<1x1x1x16xf32> to vector<16xf32>
        %swap3A_723 = vector.shape_cast %mul3A_714 : vector<16xf32> to vector<1x1x1x16xf32>
        tpu.vector_store %arg7[%swap3A_717, %swap3A_718, %swap3A_719, %swap3A_720], %swap3A_723 {strides = array<i32>} : memref<2x4x50x128xf32, #tpu.memory_space<vmem>>, vector<1x1x1x16xf32>,
        %add3A_724 = arith.constant 150 : i32
        %add3A_725 = arith.addi %add3A_724, %scan3A_224 : i32
        %get3A_726 = arith.constant 1 : i32
        %get3A_727 = arith.index_cast %get3A_726 : i32 to index
        %get3A_728 = arith.index_cast %add3A_725 : i32 to index
        %get3A_729 = arith.constant 16 : index
        %get3A_730 = tpu.vector_load %arg6[%get3A_727, %get3A_728, %get3A_729] {strides = array<i32>} : memref<2x200x128xf32, #tpu.memory_space<vmem>>, vector<1x1x16xf32>,
        %get3A_731 = vector.shape_cast %get3A_730 : vector<1x1x16xf32> to vector<16xf32>
        %mul3A_732 = arith.constant 11.3137083 : f32
        %mul3A_733 = vector.broadcast %mul3A_732 : f32 to vector<16xf32>
        %mul3A_734 = arith.mulf %get3A_731, %mul3A_733 : vector<16xf32>
        %swap3A_735 = arith.constant 1 : i32
        %swap3A_736 = arith.constant 3 : i32
        %swap3A_737 = arith.index_cast %swap3A_735 : i32 to index
        %swap3A_738 = arith.index_cast %swap3A_736 : i32 to index
        %swap3A_739 = arith.index_cast %scan3A_224 : i32 to index
        %swap3A_740 = arith.constant 16 : index
        %swap3A_741 = tpu.vector_load %arg7[%swap3A_737, %swap3A_738, %swap3A_739, %swap3A_740] {strides = array<i32>} : memref<2x4x50x128xf32, #tpu.memory_space<vmem>>, vector<1x1x1x16xf32>,
        %swap3A_742 = vector.shape_cast %swap3A_741 : vector<1x1x1x16xf32> to vector<16xf32>
        %swap3A_743 = vector.shape_cast %mul3A_734 : vector<16xf32> to vector<1x1x1x16xf32>
        tpu.vector_store %arg7[%swap3A_737, %swap3A_738, %swap3A_739, %swap3A_740], %swap3A_743 {strides = array<i32>} : memref<2x4x50x128xf32, #tpu.memory_space<vmem>>, vector<1x1x1x16xf32>,
        %add3A_744 = arith.constant 150 : i32
        %add3A_745 = arith.addi %add3A_744, %scan3A_224 : i32
        %get3A_746 = arith.constant 1 : i32
        %get3A_747 = arith.index_cast %get3A_746 : i32 to index
        %get3A_748 = arith.index_cast %add3A_745 : i32 to index
        %get3A_749 = arith.constant 32 : index
        %get3A_750 = tpu.vector_load %arg6[%get3A_747, %get3A_748, %get3A_749] {strides = array<i32>} : memref<2x200x128xf32, #tpu.memory_space<vmem>>, vector<1x1x16xf32>,
        %get3A_751 = vector.shape_cast %get3A_750 : vector<1x1x16xf32> to vector<16xf32>
        %mul3A_752 = arith.constant 11.3137083 : f32
        %mul3A_753 = vector.broadcast %mul3A_752 : f32 to vector<16xf32>
        %mul3A_754 = arith.mulf %get3A_751, %mul3A_753 : vector<16xf32>
        %swap3A_755 = arith.constant 1 : i32
        %swap3A_756 = arith.constant 3 : i32
        %swap3A_757 = arith.index_cast %swap3A_755 : i32 to index
        %swap3A_758 = arith.index_cast %swap3A_756 : i32 to index
        %swap3A_759 = arith.index_cast %scan3A_224 : i32 to index
        %swap3A_760 = arith.constant 32 : index
        %swap3A_761 = tpu.vector_load %arg7[%swap3A_757, %swap3A_758, %swap3A_759, %swap3A_760] {strides = array<i32>} : memref<2x4x50x128xf32, #tpu.memory_space<vmem>>, vector<1x1x1x16xf32>,
        %swap3A_762 = vector.shape_cast %swap3A_761 : vector<1x1x1x16xf32> to vector<16xf32>
        %swap3A_763 = vector.shape_cast %mul3A_754 : vector<16xf32> to vector<1x1x1x16xf32>
        tpu.vector_store %arg7[%swap3A_757, %swap3A_758, %swap3A_759, %swap3A_760], %swap3A_763 {strides = array<i32>} : memref<2x4x50x128xf32, #tpu.memory_space<vmem>>, vector<1x1x1x16xf32>,
        %add3A_764 = arith.constant 150 : i32
        %add3A_765 = arith.addi %add3A_764, %scan3A_224 : i32
        %get3A_766 = arith.constant 1 : i32
        %get3A_767 = arith.index_cast %get3A_766 : i32 to index
        %get3A_768 = arith.index_cast %add3A_765 : i32 to index
        %get3A_769 = arith.constant 48 : index
        %get3A_770 = tpu.vector_load %arg6[%get3A_767, %get3A_768, %get3A_769] {strides = array<i32>} : memref<2x200x128xf32, #tpu.memory_space<vmem>>, vector<1x1x16xf32>,
        %get3A_771 = vector.shape_cast %get3A_770 : vector<1x1x16xf32> to vector<16xf32>
        %mul3A_772 = arith.constant 11.3137083 : f32
        %mul3A_773 = vector.broadcast %mul3A_772 : f32 to vector<16xf32>
        %mul3A_774 = arith.mulf %get3A_771, %mul3A_773 : vector<16xf32>
        %swap3A_775 = arith.constant 1 : i32
        %swap3A_776 = arith.constant 3 : i32
        %swap3A_777 = arith.index_cast %swap3A_775 : i32 to index
        %swap3A_778 = arith.index_cast %swap3A_776 : i32 to index
        %swap3A_779 = arith.index_cast %scan3A_224 : i32 to index
        %swap3A_780 = arith.constant 48 : index
        %swap3A_781 = tpu.vector_load %arg7[%swap3A_777, %swap3A_778, %swap3A_779, %swap3A_780] {strides = array<i32>} : memref<2x4x50x128xf32, #tpu.memory_space<vmem>>, vector<1x1x1x16xf32>,
        %swap3A_782 = vector.shape_cast %swap3A_781 : vector<1x1x1x16xf32> to vector<16xf32>
        %swap3A_783 = vector.shape_cast %mul3A_774 : vector<16xf32> to vector<1x1x1x16xf32>
        tpu.vector_store %arg7[%swap3A_777, %swap3A_778, %swap3A_779, %swap3A_780], %swap3A_783 {strides = array<i32>} : memref<2x4x50x128xf32, #tpu.memory_space<vmem>>, vector<1x1x1x16xf32>,
        %add3A_784 = arith.constant 150 : i32
        %add3A_785 = arith.addi %add3A_784, %scan3A_224 : i32
        %get3A_786 = arith.constant 1 : i32
        %get3A_787 = arith.index_cast %get3A_786 : i32 to index
        %get3A_788 = arith.index_cast %add3A_785 : i32 to index
        %get3A_789 = arith.constant 64 : index
        %get3A_790 = tpu.vector_load %arg6[%get3A_787, %get3A_788, %get3A_789] {strides = array<i32>} : memref<2x200x128xf32, #tpu.memory_space<vmem>>, vector<1x1x16xf32>,
        %get3A_791 = vector.shape_cast %get3A_790 : vector<1x1x16xf32> to vector<16xf32>
        %mul3A_792 = arith.constant 11.3137083 : f32
        %mul3A_793 = vector.broadcast %mul3A_792 : f32 to vector<16xf32>
        %mul3A_794 = arith.mulf %get3A_791, %mul3A_793 : vector<16xf32>
        %swap3A_795 = arith.constant 1 : i32
        %swap3A_796 = arith.constant 3 : i32
        %swap3A_797 = arith.index_cast %swap3A_795 : i32 to index
        %swap3A_798 = arith.index_cast %swap3A_796 : i32 to index
        %swap3A_799 = arith.index_cast %scan3A_224 : i32 to index
        %swap3A_800 = arith.constant 64 : index
        %swap3A_801 = tpu.vector_load %arg7[%swap3A_797, %swap3A_798, %swap3A_799, %swap3A_800] {strides = array<i32>} : memref<2x4x50x128xf32, #tpu.memory_space<vmem>>, vector<1x1x1x16xf32>,
        %swap3A_802 = vector.shape_cast %swap3A_801 : vector<1x1x1x16xf32> to vector<16xf32>
        %swap3A_803 = vector.shape_cast %mul3A_794 : vector<16xf32> to vector<1x1x1x16xf32>
        tpu.vector_store %arg7[%swap3A_797, %swap3A_798, %swap3A_799, %swap3A_800], %swap3A_803 {strides = array<i32>} : memref<2x4x50x128xf32, #tpu.memory_space<vmem>>, vector<1x1x1x16xf32>,
        %add3A_804 = arith.constant 150 : i32
        %add3A_805 = arith.addi %add3A_804, %scan3A_224 : i32
        %get3A_806 = arith.constant 1 : i32
        %get3A_807 = arith.index_cast %get3A_806 : i32 to index
        %get3A_808 = arith.index_cast %add3A_805 : i32 to index
        %get3A_809 = arith.constant 80 : index
        %get3A_810 = tpu.vector_load %arg6[%get3A_807, %get3A_808, %get3A_809] {strides = array<i32>} : memref<2x200x128xf32, #tpu.memory_space<vmem>>, vector<1x1x16xf32>,
        %get3A_811 = vector.shape_cast %get3A_810 : vector<1x1x16xf32> to vector<16xf32>
        %mul3A_812 = arith.constant 11.3137083 : f32
        %mul3A_813 = vector.broadcast %mul3A_812 : f32 to vector<16xf32>
        %mul3A_814 = arith.mulf %get3A_811, %mul3A_813 : vector<16xf32>
        %swap3A_815 = arith.constant 1 : i32
        %swap3A_816 = arith.constant 3 : i32
        %swap3A_817 = arith.index_cast %swap3A_815 : i32 to index
        %swap3A_818 = arith.index_cast %swap3A_816 : i32 to index
        %swap3A_819 = arith.index_cast %scan3A_224 : i32 to index
        %swap3A_820 = arith.constant 80 : index
        %swap3A_821 = tpu.vector_load %arg7[%swap3A_817, %swap3A_818, %swap3A_819, %swap3A_820] {strides = array<i32>} : memref<2x4x50x128xf32, #tpu.memory_space<vmem>>, vector<1x1x1x16xf32>,
        %swap3A_822 = vector.shape_cast %swap3A_821 : vector<1x1x1x16xf32> to vector<16xf32>
        %swap3A_823 = vector.shape_cast %mul3A_814 : vector<16xf32> to vector<1x1x1x16xf32>
        tpu.vector_store %arg7[%swap3A_817, %swap3A_818, %swap3A_819, %swap3A_820], %swap3A_823 {strides = array<i32>} : memref<2x4x50x128xf32, #tpu.memory_space<vmem>>, vector<1x1x1x16xf32>,
        %add3A_824 = arith.constant 150 : i32
        %add3A_825 = arith.addi %add3A_824, %scan3A_224 : i32
        %get3A_826 = arith.constant 1 : i32
        %get3A_827 = arith.index_cast %get3A_826 : i32 to index
        %get3A_828 = arith.index_cast %add3A_825 : i32 to index
        %get3A_829 = arith.constant 96 : index
        %get3A_830 = tpu.vector_load %arg6[%get3A_827, %get3A_828, %get3A_829] {strides = array<i32>} : memref<2x200x128xf32, #tpu.memory_space<vmem>>, vector<1x1x16xf32>,
        %get3A_831 = vector.shape_cast %get3A_830 : vector<1x1x16xf32> to vector<16xf32>
        %mul3A_832 = arith.constant 11.3137083 : f32
        %mul3A_833 = vector.broadcast %mul3A_832 : f32 to vector<16xf32>
        %mul3A_834 = arith.mulf %get3A_831, %mul3A_833 : vector<16xf32>
        %swap3A_835 = arith.constant 1 : i32
        %swap3A_836 = arith.constant 3 : i32
        %swap3A_837 = arith.index_cast %swap3A_835 : i32 to index
        %swap3A_838 = arith.index_cast %swap3A_836 : i32 to index
        %swap3A_839 = arith.index_cast %scan3A_224 : i32 to index
        %swap3A_840 = arith.constant 96 : index
        %swap3A_841 = tpu.vector_load %arg7[%swap3A_837, %swap3A_838, %swap3A_839, %swap3A_840] {strides = array<i32>} : memref<2x4x50x128xf32, #tpu.memory_space<vmem>>, vector<1x1x1x16xf32>,
        %swap3A_842 = vector.shape_cast %swap3A_841 : vector<1x1x1x16xf32> to vector<16xf32>
        %swap3A_843 = vector.shape_cast %mul3A_834 : vector<16xf32> to vector<1x1x1x16xf32>
        tpu.vector_store %arg7[%swap3A_837, %swap3A_838, %swap3A_839, %swap3A_840], %swap3A_843 {strides = array<i32>} : memref<2x4x50x128xf32, #tpu.memory_space<vmem>>, vector<1x1x1x16xf32>,
        %add3A_844 = arith.constant 150 : i32
        %add3A_845 = arith.addi %add3A_844, %scan3A_224 : i32
        %get3A_846 = arith.constant 1 : i32
        %get3A_847 = arith.index_cast %get3A_846 : i32 to index
        %get3A_848 = arith.index_cast %add3A_845 : i32 to index
        %get3A_849 = arith.constant 112 : index
        %get3A_850 = tpu.vector_load %arg6[%get3A_847, %get3A_848, %get3A_849] {strides = array<i32>} : memref<2x200x128xf32, #tpu.memory_space<vmem>>, vector<1x1x16xf32>,
        %get3A_851 = vector.shape_cast %get3A_850 : vector<1x1x16xf32> to vector<16xf32>
        %mul3A_852 = arith.constant 11.3137083 : f32
        %mul3A_853 = vector.broadcast %mul3A_852 : f32 to vector<16xf32>
        %mul3A_854 = arith.mulf %get3A_851, %mul3A_853 : vector<16xf32>
        %swap3A_855 = arith.constant 1 : i32
        %swap3A_856 = arith.constant 3 : i32
        %swap3A_857 = arith.index_cast %swap3A_855 : i32 to index
        %swap3A_858 = arith.index_cast %swap3A_856 : i32 to index
        %swap3A_859 = arith.index_cast %scan3A_224 : i32 to index
        %swap3A_860 = arith.constant 112 : index
        %swap3A_861 = tpu.vector_load %arg7[%swap3A_857, %swap3A_858, %swap3A_859, %swap3A_860] {strides = array<i32>} : memref<2x4x50x128xf32, #tpu.memory_space<vmem>>, vector<1x1x1x16xf32>,
        %swap3A_862 = vector.shape_cast %swap3A_861 : vector<1x1x1x16xf32> to vector<16xf32>
        %swap3A_863 = vector.shape_cast %mul3A_854 : vector<16xf32> to vector<1x1x1x16xf32>
        tpu.vector_store %arg7[%swap3A_857, %swap3A_858, %swap3A_859, %swap3A_860], %swap3A_863 {strides = array<i32>} : memref<2x4x50x128xf32, #tpu.memory_space<vmem>>, vector<1x1x1x16xf32>,
        %scan3A_864 = arith.constant 0 : i32
        scf.yield %scan3A_864 : i32
      }
      %scan3A_195 = arith.constant 50 : i32
      %add3A_196 = arith.constant 2 : i32
      %add3A_197 = arith.addi %add3A_157, %add3A_196 : i32
      %lt3A_198 = arith.constant 32 : i32
      %lt3A_199 = arith.cmpi slt, %add3A_197, %lt3A_198 : i32
      %convert_element_type3A_200 = arith.extui %lt3A_199 : i1 to i32
      %cond3A_201 = arith.constant 0 : i32
      %cond3A_202 = arith.cmpi ne, %convert_element_type3A_200, %cond3A_201 : i32
      scf.if %cond3A_202 {
        %add3A_224 = arith.constant 2 : i32
        %add3A_225 = arith.addi %add3A_157, %add3A_224 : i32
        %mul3A_226 = arith.constant 200 : i32
        %mul3A_227 = arith.muli %add3A_225, %mul3A_226 : i32
        %add3A_228 = arith.constant 0 : i32
        %add3A_229 = arith.addi %mul3A_227, %add3A_228 : i32
        %mul3A_230 = arith.constant 200 : i32
        %mul3A_231 = arith.muli %add3A_225, %mul3A_230 : i32
        %add3A_232 = arith.constant 128 : i32
        %add3A_233 = arith.addi %mul3A_231, %add3A_232 : i32
        %dma_start3A_234 = arith.constant 1 : i32
        %dma_start3A_235 = arith.constant 0 : i32
        %dma_start3A_236 = arith.constant 0 : i32
        %dma_start3A_237 = tpu.memref_slice %arg6[%dma_start3A_234, %dma_start3A_235, %dma_start3A_236] : memref<2x200x128xf32, #tpu.memory_space<vmem>> -> memref<1x128x128xf32, #tpu.memory_space<vmem>>
        %dma_start3A_238 = tpu.memref_squeeze %dma_start3A_237 : memref<1x128x128xf32, #tpu.memory_space<vmem>> -> memref<128x128xf32, #tpu.memory_space<vmem>>
        %dma_start3A_239 = tpu.memref_slice %arg5[%add3A_229] : memref<6400xi32, #tpu.memory_space<vmem>> -> memref<128xi32, #tpu.memory_space<vmem>>
        %dma_start3A_240 = arith.constant 0 : i32
        %dma_start3A_241 = arith.constant 0 : i32
        %dma_start3A_242 = tpu.memref_slice %arg3[%dma_start3A_240, %dma_start3A_241] : memref<100000x128xf32, #tpu.memory_space<hbm>> -> memref<100000x128xf32, #tpu.memory_space<hbm>>
        tpu.enqueue_indirect_dma source(%dma_start3A_242 : memref<100000x128xf32, #tpu.memory_space<hbm>>) target(%dma_start3A_238 : memref<128x128xf32, #tpu.memory_space<vmem>>) offsets(%dma_start3A_239 : memref<128xi32, #tpu.memory_space<vmem>>) semaphore(%arg9 : memref<!tpu.dma_semaphore, #tpu.memory_space<semaphore_mem>>)
        %dma_start3A_243 = arith.constant 1 : i32
        %dma_start3A_244 = arith.constant 128 : i32
        %dma_start3A_245 = arith.constant 0 : i32
        %dma_start3A_246 = tpu.memref_slice %arg6[%dma_start3A_243, %dma_start3A_244, %dma_start3A_245] : memref<2x200x128xf32, #tpu.memory_space<vmem>> -> memref<1x72x128xf32, #tpu.memory_space<vmem>>
        %dma_start3A_247 = tpu.memref_squeeze %dma_start3A_246 : memref<1x72x128xf32, #tpu.memory_space<vmem>> -> memref<72x128xf32, #tpu.memory_space<vmem>>
        %dma_start3A_248 = tpu.memref_slice %arg5[%add3A_233] : memref<6400xi32, #tpu.memory_space<vmem>> -> memref<72xi32, #tpu.memory_space<vmem>>
        %dma_start3A_249 = arith.constant 0 : i32
        %dma_start3A_250 = arith.constant 0 : i32
        %dma_start3A_251 = tpu.memref_slice %arg3[%dma_start3A_249, %dma_start3A_250] : memref<100000x128xf32, #tpu.memory_space<hbm>> -> memref<100000x128xf32, #tpu.memory_space<hbm>>
        tpu.enqueue_indirect_dma source(%dma_start3A_251 : memref<100000x128xf32, #tpu.memory_space<hbm>>) target(%dma_start3A_247 : memref<72x128xf32, #tpu.memory_space<vmem>>) offsets(%dma_start3A_248 : memref<72xi32, #tpu.memory_space<vmem>>) semaphore(%arg9 : memref<!tpu.dma_semaphore, #tpu.memory_space<semaphore_mem>>)
      } else {
      }
      %mul3A_203 = arith.constant 4 : i32
      %mul3A_204 = arith.muli %add3A_157, %mul3A_203 : i32
      %add3A_205 = arith.addi %mul3A_4, %mul3A_204 : i32
      %dma_start3A_206 = arith.constant 1 : i32
      %dma_start3A_207 = arith.constant 0 : i32
      %dma_start3A_208 = arith.constant 0 : i32
      %dma_start3A_209 = arith.constant 0 : i32
      %dma_start3A_210 = tpu.memref_slice %arg7[%dma_start3A_206, %dma_start3A_207, %dma_start3A_208, %dma_start3A_209] : memref<2x4x50x128xf32, #tpu.memory_space<vmem>> -> memref<1x4x50x128xf32, #tpu.memory_space<vmem>>
      %dma_start3A_211 = tpu.memref_squeeze %dma_start3A_210 : memref<1x4x50x128xf32, #tpu.memory_space<vmem>> -> memref<4x50x128xf32, #tpu.memory_space<vmem>>
      %dma_start3A_212 = arith.constant 0 : i32
      %dma_start3A_213 = arith.constant 0 : i32
      %dma_start3A_214 = tpu.memref_slice %arg4[%add3A_205, %dma_start3A_212, %dma_start3A_213] : memref<4096x50x128xf32, #tpu.memory_space<hbm>> -> memref<4x50x128xf32, #tpu.memory_space<hbm>>
      %dma_start3A_215 = arith.constant 0 : i32
      %dma_start3A_216 = arith.constant 0 : i32
      %dma_start3A_217 = tpu.memref_slice %arg4[%add3A_205, %dma_start3A_215, %dma_start3A_216] : memref<4096x50x128xf32, #tpu.memory_space<hbm>> -> memref<4x50x128xf32, #tpu.memory_space<hbm>>
      %dma_start3A_218 = arith.constant 0 : i32
      %dma_start3A_219 = arith.constant 0 : i32
      %dma_start3A_220 = arith.constant 0 : i32
      %dma_start3A_221 = tpu.memref_slice %arg7[%dma_start3A_206, %dma_start3A_218, %dma_start3A_219, %dma_start3A_220] : memref<2x4x50x128xf32, #tpu.memory_space<vmem>> -> memref<1x4x50x128xf32, #tpu.memory_space<vmem>>
      %dma_start3A_222 = tpu.memref_squeeze %dma_start3A_221 : memref<1x4x50x128xf32, #tpu.memory_space<vmem>> -> memref<4x50x128xf32, #tpu.memory_space<vmem>>
      tpu.enqueue_dma source(%dma_start3A_222 : memref<4x50x128xf32, #tpu.memory_space<vmem>>) target(%dma_start3A_217 : memref<4x50x128xf32, #tpu.memory_space<hbm>>) target_semaphore(%arg11 : memref<!tpu.dma_semaphore, #tpu.memory_space<semaphore_mem>>)
      %scan3A_223 = arith.constant 0 : i32
      scf.yield %scan3A_223 : i32
    }
    %scan3A_49 = arith.constant 16 : i32
    %add3A_50 = arith.constant 120 : i32
    %add3A_51 = arith.addi %mul3A_4, %add3A_50 : i32
    %dma_wait3A = arith.constant 0 : i32
    %dma_wait3A_52 = arith.constant 0 : i32
    %dma_wait3A_53 = arith.constant 0 : i32
    %dma_wait3A_54 = arith.constant 0 : i32
    %dma_wait3A_55 = tpu.memref_slice %arg7[%dma_wait3A, %dma_wait3A_52, %dma_wait3A_53, %dma_wait3A_54] : memref<2x4x50x128xf32, #tpu.memory_space<vmem>> -> memref<1x4x50x128xf32, #tpu.memory_space<vmem>>
    %dma_wait3A_56 = tpu.memref_squeeze %dma_wait3A_55 : memref<1x4x50x128xf32, #tpu.memory_space<vmem>> -> memref<4x50x128xf32, #tpu.memory_space<vmem>>
    %dma_wait3A_57 = arith.constant 0 : i32
    %dma_wait3A_58 = arith.constant 0 : i32
    %dma_wait3A_59 = tpu.memref_slice %arg4[%add3A_51, %dma_wait3A_57, %dma_wait3A_58] : memref<4096x50x128xf32, #tpu.memory_space<hbm>> -> memref<4x50x128xf32, #tpu.memory_space<hbm>>
    %dma_wait3A_60 = arith.constant 0 : i32
    %dma_wait3A_61 = arith.constant 0 : i32
    %dma_wait3A_62 = tpu.memref_slice %arg4[%add3A_51, %dma_wait3A_60, %dma_wait3A_61] : memref<4096x50x128xf32, #tpu.memory_space<hbm>> -> memref<4x50x128xf32, #tpu.memory_space<hbm>>
    %dma_wait3A_63 = arith.constant 0 : i32
    %dma_wait3A_64 = arith.constant 0 : i32
    %dma_wait3A_65 = arith.constant 0 : i32
    %dma_wait3A_66 = tpu.memref_slice %arg7[%dma_wait3A, %dma_wait3A_63, %dma_wait3A_64, %dma_wait3A_65] : memref<2x4x50x128xf32, #tpu.memory_space<vmem>> -> memref<1x4x50x128xf32, #tpu.memory_space<vmem>>
    %dma_wait3A_67 = tpu.memref_squeeze %dma_wait3A_66 : memref<1x4x50x128xf32, #tpu.memory_space<vmem>> -> memref<4x50x128xf32, #tpu.memory_space<vmem>>
    tpu.wait_dma2 semaphore(%arg10 : memref<!tpu.dma_semaphore, #tpu.memory_space<semaphore_mem>>) src(%dma_wait3A_67 : memref<4x50x128xf32, #tpu.memory_space<vmem>>) dst(%dma_wait3A_62 : memref<4x50x128xf32, #tpu.memory_space<hbm>>)
    %add3A_68 = arith.constant 124 : i32
    %add3A_69 = arith.addi %mul3A_4, %add3A_68 : i32
    %dma_wait3A_70 = arith.constant 1 : i32
    %dma_wait3A_71 = arith.constant 0 : i32
    %dma_wait3A_72 = arith.constant 0 : i32
    %dma_wait3A_73 = arith.constant 0 : i32
    %dma_wait3A_74 = tpu.memref_slice %arg7[%dma_wait3A_70, %dma_wait3A_71, %dma_wait3A_72, %dma_wait3A_73] : memref<2x4x50x128xf32, #tpu.memory_space<vmem>> -> memref<1x4x50x128xf32, #tpu.memory_space<vmem>>
    %dma_wait3A_75 = tpu.memref_squeeze %dma_wait3A_74 : memref<1x4x50x128xf32, #tpu.memory_space<vmem>> -> memref<4x50x128xf32, #tpu.memory_space<vmem>>
    %dma_wait3A_76 = arith.constant 0 : i32
    %dma_wait3A_77 = arith.constant 0 : i32
    %dma_wait3A_78 = tpu.memref_slice %arg4[%add3A_69, %dma_wait3A_76, %dma_wait3A_77] : memref<4096x50x128xf32, #tpu.memory_space<hbm>> -> memref<4x50x128xf32, #tpu.memory_space<hbm>>
    %dma_wait3A_79 = arith.constant 0 : i32
    %dma_wait3A_80 = arith.constant 0 : i32
    %dma_wait3A_81 = tpu.memref_slice %arg4[%add3A_69, %dma_wait3A_79, %dma_wait3A_80] : memref<4096x50x128xf32, #tpu.memory_space<hbm>> -> memref<4x50x128xf32, #tpu.memory_space<hbm>>
    %dma_wait3A_82 = arith.constant 0 : i32
    %dma_wait3A_83 = arith.constant 0 : i32
    %dma_wait3A_84 = arith.constant 0 : i32
    %dma_wait3A_85 = tpu.memref_slice %arg7[%dma_wait3A_70, %dma_wait3A_82, %dma_wait3A_83, %dma_wait3A_84] : memref<2x4x50x128xf32, #tpu.memory_space<vmem>> -> memref<1x4x50x128xf32, #tpu.memory_space<vmem>>
    %dma_wait3A_86 = tpu.memref_squeeze %dma_wait3A_85 : memref<1x4x50x128xf32, #tpu.memory_space<vmem>> -> memref<4x50x128xf32, #tpu.memory_space<vmem>>
    tpu.wait_dma2 semaphore(%arg11 : memref<!tpu.dma_semaphore, #tpu.memory_space<semaphore_mem>>) src(%dma_wait3A_86 : memref<4x50x128xf32, #tpu.memory_space<vmem>>) dst(%dma_wait3A_81 : memref<4x50x128xf32, #tpu.memory_space<hbm>>)
    return
  }
}

</mosaic_0001>

<sc_bundles>
// kernel: kernel.3.cloned.1.call-start
scs
__scs_entry_jumppad:
0x0: {  	(pc) =	sbr.rel $0x88, $3  }
0x1: {  	(tag) =	ssettag $0x0;
	lr =	simm.s32 $0x1  }
0x2: {  	[smem:$0x3F9F] =	sst lr;
	_ =	strace $0xD0000000  }
0x3: {  	_ = 	snop  }
0x4: {  	_ = 	snop  }
0x5: {  	_ = 	snop  }
0x6: {  	_ = 	snop  }
0x7: {  	_ = 	snop  }
__scs_overlays_trampoline_lowered:
0x8: {  	[smem:$0x3FAE] =	sst s0  }
0x9: {  	[smem:$0x3FAF] =	sst s1  }
0xa: {  	[smem:$0x3FB0] =	sst s2  }
0xb: {  	[smem:$0x3FB1] =	sst s3  }
0xc: {  	[smem:$0x3FB2] =	sst s4  }
0xd: {  	[smem:$0x3FB3] =	sst s5  }
0xe: {  	[smem:$0x3FB4] =	sst s6  }
0xf: {  	[smem:$0x3FB5] =	sst s7  }
0x10: {  	[smem:$0x3FB6] =	sst s8  }
0x11: {  	[smem:$0x3FB7] =	sst s9;
	s0 =	simm.s32 @!p0 $0x0  }
0x12: {  	s1 =	sld [smem:$0x3F9D];
	s0 =	simm.s32 @p0 $0x1  }
0x13: {  	[smem:$0x3FB8] =	sst s0;
	s0 =	simm.s32 @!p1 $0x0  }
0x14: {  	s2 =	sld [smem:$0x3F9C];
	s0 =	simm.s32 @p1 $0x1  }
0x15: {  	[smem:$0x3FB9] =	sst s0;
	s0 =	simm.s32 @!p2 $0x0  }
0x16: {  	s3 =	sld [smem:$0x3FDB];
	s0 =	simm.s32 @p2 $0x1  }
0x17: {  	s4 =	simm.s32 $0x1BF5;
	[smem:$0x3FBB] =	sst s0  }
0x18: {  	s0 =	sld [smem:$0x3F9E];
	_ =	swait.ge [sflag:s4], $0x0  }
0x19: {  	s7 =	sld [smem:$0x3F9F]  }
0x1a: {  	s8 =	sadd.s32 $0xFFFFE003, lr  }
0x1b: {  	s9 =	sadd.s32 $0xFFFFFEF7, lr;
	s5 =	simm.s32 $0xFFFFFFFF;
	p2 =	slt.u32 s8, $0xFFFFF086  }
0x1c: {  	p1 =	slt.u32 s9, $0xF7A;
	s5 =	simm.s32 @!p2 $0x0  }
0x1d: {  	s5 =	simm.s32 @p1 $0x1;
	p0 =	seq.s32 s7, s2  }
0x1e: {  	s7 =	smul.u32 @!p0 $0xF7A, s2;
	p2 =	seq.s32 @!p0 s5, $0x0  }
0x1f: {  	s9 =	smul.u32 $0xF7A, s1;
	s8 =	simm.s32 @!p0 $0x1BF5;
	p2 =	por !p2, p0  }
0x20: {  	[sflag:s8] =	ssyncset.s32 @!p0 $0xFFFFF086;
	s6 =	sadd.s32 @!p0 s3, s7;
	s7 =	simm.s32 @!p0 $0x108  }
0x21: {  	s3 =	sadd.s32 s3, s9;
	s6 =	sadd.s32 @!p0 $0x88, s6;
	s7 =	simm.s32 @p2 $0x1082  }
0x22: {  	[simem:s7], [sflag:s8] =	dma.local @!p0 [hbm:s6], $0xF7A  }
0x23: {  	s9 =	sor.u32 $0xD0000000, s2;
	s6 =	simm.s32 $0x108;
	_ =	swait.ge @!p0 [sflag:s8], $0x0  }
0x24: {  	s3 =	sadd.s32 $0x88, s3;
	s6 =	simm.s32 @!p1 $0x1082;
	[sflag:s4] =	ssyncset.s32 $0xFFFFF086  }
0x25: {  	[simem:s6], [sflag:s4] =	dma.local [hbm:s3], $0xF7A  }
0x26: {  	[smem:$0x3F9F] =	sst s1;
	(tag) =	ssettag s2;
	_ =	strace s9  }
0x27: {  	s1 =	sld [smem:$0x3FAF]  }
0x28: {  	s2 =	sld [smem:$0x3FB0]  }
0x29: {  	s4 =	sld [smem:$0x3FB2]  }
0x2a: {  	p0 =	seq.s32 s5, $0x0;
	s5 =	sld [smem:$0x3FB3]  }
0x2b: {  	s6 =	sld [smem:$0x3FB4]  }
0x2c: {  	s7 =	sld [smem:$0x3FB5]  }
0x2d: {  	s3 =	simm.s32 $0x108;
	s8 =	sld [smem:$0x3FB6]  }
0x2e: {  	s3 =	simm.s32 @!p0 $0x1082;
	s9 =	sld [smem:$0x3FB7]  }
0x2f: {  	lr =	sadd.s32 s0, s3;
	s0 =	sld [smem:$0x3FAE]  }
0x30: {  	s3 =	sld [smem:$0x3FB1]  }
0x31: {  	[smem:$0x3FBA] =	sst s10  }
0x32: {  	s10 =	sld [smem:$0x3FB8];
	_ =	sdelay $0x3  }
0x33: {  	p0 =	seq.s32 s10, $0x1;
	s10 =	sld [smem:$0x3FBA];
	_ =	sdelay $0x3  }
0x34: {  	[smem:$0x3FBA] =	sst s10  }
0x35: {  	s10 =	sld [smem:$0x3FB9];
	_ =	sdelay $0x3  }
0x36: {  	p1 =	seq.s32 s10, $0x1;
	s10 =	sld [smem:$0x3FBA];
	_ =	sdelay $0x3  }
0x37: {  	[smem:$0x3FBA] =	sst s10  }
0x38: {  	s10 =	sld [smem:$0x3FBB]  }
0x39: {  	_ = 	snop;
	(pc) =	sbr.ind lr, $3  }
0x3a: {  	_ = 	snop  }
0x3b: {  	_ = 	snop  }
0x3c: {  	p2 =	seq.s32 s10, $0x1;
	s10 =	sld [smem:$0x3FBA]  }
0x3d: {  	_ =	shalt  }
0x3e: {  	_ =	shalt  }
0x3f: {  	_ =	shalt  }
0x40: {  	_ =	shalt  }
0x41: {  	_ =	shalt  }
0x42: {  	_ =	shalt  }
0x43: {  	_ =	shalt  }
0x44: {  	_ =	shalt  }
0x45: {  	_ =	shalt  }
0x46: {  	_ =	shalt  }
0x47: {  	_ =	shalt  }
0x48: {  	_ =	shalt  }
0x49: {  	_ =	shalt  }
0x4a: {  	_ =	shalt  }
0x4b: {  	_ =	shalt  }
0x4c: {  	_ =	shalt  }
0x4d: {  	_ =	shalt  }
0x4e: {  	_ =	shalt  }
0x4f: {  	_ =	shalt  }
0x50: {  	_ =	shalt  }
0x51: {  	_ =	shalt  }
0x52: {  	_ =	shalt  }
0x53: {  	_ =	shalt  }
0x54: {  	_ =	shalt  }
0x55: {  	_ =	shalt  }
0x56: {  	_ =	shalt  }
0x57: {  	_ =	shalt  }
0x58: {  	_ =	shalt  }
0x59: {  	_ =	shalt  }
0x5a: {  	_ =	shalt  }
0x5b: {  	_ =	shalt  }
0x5c: {  	_ =	shalt  }
0x5d: {  	_ =	shalt  }
0x5e: {  	_ =	shalt  }
0x5f: {  	_ =	shalt  }
0x60: {  	_ =	shalt  }
0x61: {  	_ =	shalt  }
0x62: {  	_ =	shalt  }
0x63: {  	_ =	shalt  }
0x64: {  	_ =	shalt  }
0x65: {  	_ =	shalt  }
0x66: {  	_ =	shalt  }
0x67: {  	_ =	shalt  }
0x68: {  	_ =	shalt  }
0x69: {  	_ =	shalt  }
0x6a: {  	_ =	shalt  }
0x6b: {  	_ =	shalt  }
0x6c: {  	_ =	shalt  }
0x6d: {  	_ =	shalt  }
0x6e: {  	_ =	shalt  }
0x6f: {  	_ =	shalt  }
0x70: {  	_ =	shalt  }
0x71: {  	_ =	shalt  }
0x72: {  	_ =	shalt  }
0x73: {  	_ =	shalt  }
0x74: {  	_ =	shalt  }
0x75: {  	_ =	shalt  }
0x76: {  	_ =	shalt  }
0x77: {  	_ =	shalt  }
0x78: {  	_ =	shalt  }
0x79: {  	_ =	shalt  }
0x7a: {  	_ =	shalt  }
0x7b: {  	_ =	shalt  }
0x7c: {  	_ =	shalt  }
0x7d: {  	_ =	shalt  }
0x7e: {  	_ =	shalt  }
0x7f: {  	_ =	shalt  }
0x80: {  	_ =	shalt  }
0x81: {  	_ =	shalt  }
0x82: {  	_ =	shalt  }
0x83: {  	_ =	shalt  }
0x84: {  	_ =	shalt  }
0x85: {  	_ =	shalt  }
0x86: {  	_ =	shalt  }
0x87: {  	_ =	shalt  }
.Lfunc_end0:
.L_simem_size_0:
called_computation_lowered:
.L_overlay_start_0:
0x88: {  	s2 =	sld [smem:$0x3FD9]  }
0x89: {  	s3 =	sld [smem:$0x3FFE];
	_ =	sdelay $0x1  }
0x8a: {  	s1 =	srdreg.scid  }
0x8b: {  	s0 =	sand.u32 $0x1, s1  }
0x8c: {  	s17 =	sshll.u32 s0, $0xA;
	s2 =	sadd.s32 s3, s2  }
0x8d: {  	s2 =	sadd.s32 s2, s17  }
0x8e: {  	[smem:$0x3FC6] =	sst s2  }
0x8f: {  	_ = 	snop  }
0x90: {  	s2 =	sld [smem:$0x3FC8]  }
0x91: {  	s18 =	sld [smem:$0x3FD0];
	(tm) =	ssettm $0x1  }
0x92: {  	s4 =	sld [smem:$0x3FFB];
	_ =	sdelay $0x3  }
0x93: {  	_ =	strace s4  }
0x94: {  	s4 =	sld [smem:$0x3FFC];
	_ =	sdelay $0x3  }
0x95: {  	_ =	strace s4  }
0x96: {  	s4 =	sld [smem:$0x3FFD];
	_ =	sdelay $0x3  }
0x97: {  	_ =	strace s4  }
0x98: {  	_ =	strace $0x8FFFFFFF  }
0x99: {  	s19 =	sld [smem:$0x3FDB];
	_ =	sdelay $0x1  }
0x9a: {  	s5 =	simm.s32 $_scs_section_size  }
0x9b: {  	s6 =	simm.s32 $_size__tile_overlayer_lowered;
	s7 =	simm.s32 $_tile_overlayer_lowered  }
0x9c: {  	s22 =	simm.s32 $0x1BFF;
	s21 =	sshll.u32 s7, $0x1;
	s4 =	sadd.s32 s5, s19  }
0x9d: {  	s8 =	simm.s32 $0x0;
	s20 =	sshll.u32 s6, $0x1;
	s6 =	sadd.s32 s21, s4  }
0x9e: {  	[timem:s8], [sflag:s22] =	dma.local [hbm:s6], s20  }
0x9f: {  	_ =	swait.ge [sflag:s22], s20  }
0xa0: {  	s5 =	ssub.s32 $0x0, s20;
	[sflag:s22] =	ssyncset.done $0x0  }
0xa1: {  	[sflag:s22] =	ssyncadd.s32 s5;
	_ =	sdelay $0x1  }
0xa2: {  	s23 =	simm.s32 $0x1B8B  }
0xa3: {  	_ =	swait.ge [sflag:s23], $0x1  }
0xa4: {  	[sflag:s23] =	ssyncset.done $0x0  }
0xa5: {  	s25 =	simm.s32 $0x1B8E;
	s24 =	sld [smem:$0x3FFE];
	[sflag:s23] =	ssyncadd.s32 $0xFFFFFFFF  }
0xa6: {  	s26 =	simm.s32 $execute0_lowered;
	[smem:$0x3FD2] =	sst s25  }
0xa7: {  	s6 =	sshll.u32 s26, $0x1;
	_ =	strace $0x80000046;
	[dreg:$0x1] =	wrdreg $0xFFFFFFFF  }
0xa8: {  	s28 =	simm.s32 $_size_execute0_lowered;
	s4 =	sadd.s32 s4, s6;
	[dreg:$0x0] =	wrdreg $0x0  }
0xa9: {  	s6 =	sshll.u32 s28, $0x1;
	[dreg:$0x2] =	wrdreg s4  }
0xaa: {  	[dreg:$0x3] =	wrdreg s6  }
0xab: {  	[dreg:$0x4] =	wrdreg $0xC0  }
0xac: {  	_ =	task [dreg:s8], $0x5FFFF  }
0xad: {  	[dreg:$0x1] =	wrdreg $0xFFFFFFFF  }
0xae: {  	[dreg:$0x0] =	wrdreg $0x60  }
0xaf: {  	[dreg:$0x2] =	wrdreg s18  }
0xb0: {  	[dreg:$0x3] =	wrdreg s2  }
0xb1: {  	[dreg:$0x4] =	wrdreg s24  }
0xb2: {  	[dreg:$0x5] =	wrdreg $0x9  }
0xb3: {  	_ =	task.clear_ibuf [dreg:s8], $0x6FFFF;
	_ =	strace $0x90000046  }
0xb4: {  	s29 =	simm.s32 $0x9;
	_ =	strace $0x80000048  }
0xb5: {  	_ =	swait.ge [sflag:s29], $0x1  }
0xb6: {  	[sflag:s29] =	ssyncadd.s32 $0xFFFFFFFF  }
0xb7: {  	_ =	strace $0x90000048  }
0xb8: {  	_ =	sfence  }
0xb9: {  	s30 =	sld [smem:$0x0];
	_ =	sdelay $0x2  }
0xba: {  	s31 =	sshll.u32 s1, $0xD;
	s1 =	sshrl.u32 s1, $0x2  }
0xbb: {  	s3 =	sand.u32 $0x4000, s31;
	s1 =	sadd.s32 s1, s30  }
0xbc: {  	s0 =	sor.u32 s3, s0;
	s1 =	sshll.u32 s1, $0x11  }
0xbd: {  	s0 =	sor.u32 s1, s0  }
0xbe: {  	s0 =	sadd.s32 $0x8F2B, s0  }
0xbf: {  	[sflag:s0] =	ssyncadd.remote.s32 $0x1  }
0xc0: {  	_ =	sfence.sel $0xFFFF  }
0xc1: {  	[dreg:$0x0] =	wrdreg $0xFFFFFFFF;
	(pc) =	sbr.abs _section_cstart, $3  }
0xc2: {  	[dreg:$0x1] =	wrdreg $0xFFFFFFFF  }
0xc3: {  	_ =	task.clear_ibuf [dreg:s8], $0x2FFFF;
	_ =	strace $0x9FFFFFFF  }
0xc4: {  	(tm) =	ssettm $0x7FFFFFFF  }
0xc5: {  	_ =	shalt  }
tec
execute0_lowered:
.L_overlay_start_1:
0x0: {  	(tag) =	ssettag $0x1  }
0x1: {  	s0 =	rddreg [dreg:$0x0]  }
0x2: {  	s2 =	rddreg [dreg:$0x1]  }
0x3: {  	s1 =	rddreg [dreg:$0x2];
	s4 =	srdreg.scid  }
0x4: {  	s5 =	stileid.u32;
	s3 =	simm.s32 $0x0;
	s9 =	simm.s32 $0x80  }
0x5: {  	s11 =	simm.s32 $0x48;
	s15 =	simm.s32 $0x148;
	s16 =	simm.s32 $0xBD00  }
0x6: {  	s17 =	simm.s32 $0x1;
	s18 =	simm.s32 $0xE100;
	s19 =	simm.s32 $0xFD00  }
0x7: {  	s20 =	simm.s32 $0x11900;
	s21 =	simm.s32 $0x13500;
	s22 =	simm.s32 $0x2  }
0x8: {  	s23 =	simm.s32 $0x15100;
	s24 =	simm.s32 $0x16D00;
	s25 =	simm.s32 $0x18900  }
0x9: {  	s26 =	simm.s32 $0x1A500;
	s28 =	simm.s32 $0x3;
	s29 =	simm.s32 $0x4  }
0xa: {  	s30 =	simm.s32 $0x0;
	s4 =	sand.u32 $0x1, s4;
	s5 =	sshll.u32 s5, $0x1  }
0xb: {  	[smem:$0x7FF] =	sst s3;
	s6 =	ssub.s32 $0x2, s4;
	s5 =	sor.u32 s4, s5  }
0xc: {  	_ =	strace $0x80000047;
	s7 =	sshrl.u32 s6, $0x1;
	s8 =	smul.u32 $0x320, s5  }
0xd: {  	s4 =	sadd.s32 $0x400, s1;
	s5 =	sshll.u32 s5, $0x7;
	s31 =	ssub.s32 s6, s7  }
0xe: {  	s6 =	sadd.s32 s0, s8;
	s7 =	smax.u32 s31, $0x1;
	s8 =	simm.s32 $0x5  }
.LBB2_1:
0xf: {  	[tilespmem:s3], [sflag:$0x5] =	stream.linear.gather [hbm4b:s6+s3], $0x1900, $0x38;
	[tilespmem:$0x1C100] =	vst v63  }
0x10: {  	_ =	swait.ge [sflag:s8], $0x1900  }
0x11: {  	[sflag:s8] =	ssyncset.done $0x0  }
0x12: {  	s0 =	simm.s32 $0x1900;
	[sflag:s8] =	ssyncadd.s32 $0xFFFFE700  }
0x13: {  	[tilespmem:s0], [sflag:$0x1] =	stream.indirect.gather [hbm4b:s2+s9], $0x80, s3, s9, $0xb8;
	[tilespmem:$0x1C100] =	vst v63  }
0x14: {  	s13 =	simm.s32 $0x5900  }
0x15: {  	[tilespmem:s13], [sflag:$0x1] =	stream.indirect.gather [hbm4b:s2+s11], $0x80, s9, s11, $0xb8;
	[tilespmem:$0x1C100] =	vst v63  }
0x16: {  	s14 =	simm.s32 $0xC8;
	s1 =	simm.s32 $0x7D00  }
0x17: {  	[tilespmem:s1], [sflag:$0x2] =	stream.indirect.gather [hbm4b:s2+s9], $0x80, s14, s9, $0xb8;
	[tilespmem:$0x1C100] =	vst v63  }
0x18: {  	s31 =	simm.s32 $0x0  }
0x19: {  	[tilespmem:s16], [sflag:$0x2] =	stream.indirect.gather [hbm4b:s2+s11], $0x80, s15, s11, $0xb8;
	[tilespmem:$0x1C100] =	vst v63  }
.LBB2_2:
0x1a: {  	_ =	swait.ge [sflag:s17], $0x4000  }
0x1b: {  	[sflag:s17] =	ssyncset.done $0x0  }
0x1c: {  	[sflag:s17] =	ssyncadd.s32 $0xFFFFC000  }
0x1d: {  	_ =	swait.ge [sflag:s17], $0x2400  }
0x1e: {  	p1 =	seq.s32 s31, $0x0;
	[sflag:s17] =	ssyncset.done $0x0  }
0x1f: {  	s0 =	simm.s32 @!p1 $0x3;
	[sflag:s17] =	ssyncadd.s32 $0xFFFFDC00  }
0x20: {  	_ =	swait.ge @!p1 [sflag:s0], $0x6400  }
0x21: {  	[sflag:s0] =	ssyncset.done @!p1 $0x0  }
0x22: {  	[sflag:s0] =	ssyncadd.s32 @!p1 $0xFFFF9C00;
	s0 =	simm.s32 $0x0  }
0x23: {  	v0 =	vld [tilespmem:s0+$0x6470]  }
0x24: {  	v1 =	vld [tilespmem:s0+$0x1900];
	_ =	sdelay $0x1  }
0x25: {  	v2 =	vld [tilespmem:s0+$0x1910]  }
0x26: {  	v3 =	vld [tilespmem:s0+$0x1920]  }
0x27: {  	v4 =	vld [tilespmem:s0+$0x1930];
	v0 =	vmul.f32 $1.131370830e+01, v0  }
0x28: {  	v5 =	vld [tilespmem:s0+$0x1940];
	v1 =	vmul.f32 $1.131370830e+01, v1  }
0x29: {  	v6 =	vld [tilespmem:s0+$0x1950];
	[tilespmem:s0+$0x13570] =	vst v0  }
0x2a: {  	v0 =	vmul.f32 $1.131370830e+01, v2;
	[tilespmem:s0+$0xE100] =	vst v1;
	v1 =	vld [tilespmem:s0+$0x1970]  }
0x2b: {  	v7 =	vld [tilespmem:s0+$0x1960];
	v2 =	vmul.f32 $1.131370830e+01, v3  }
0x2c: {  	v3 =	vmul.f32 $1.131370830e+01, v4;
	[tilespmem:s0+$0xE110] =	vst v0;
	v0 =	vld [tilespmem:s0+$0x3200]  }
0x2d: {  	v4 =	vmul.f32 $1.131370830e+01, v5;
	[tilespmem:s0+$0xE120] =	vst v2;
	v2 =	vld [tilespmem:s0+$0x3210]  }
0x2e: {  	v5 =	vmul.f32 $1.131370830e+01, v6;
	[tilespmem:s0+$0xE130] =	vst v3;
	v3 =	vld [tilespmem:s0+$0x3220]  }
0x2f: {  	[tilespmem:s0+$0xE140] =	vst v4;
	v4 =	vld [tilespmem:s0+$0x3230];
	v1 =	vmul.f32 $1.131370830e+01, v1  }
0x30: {  	v6 =	vmul.f32 $1.131370830e+01, v7;
	[tilespmem:s0+$0xE150] =	vst v5;
	v5 =	vld [tilespmem:s0+$0x3240]  }
0x31: {  	v0 =	vmul.f32 $1.131370830e+01, v0;
	[tilespmem:s0+$0xE170] =	vst v1;
	v1 =	vld [tilespmem:s0+$0x3260]  }
0x32: {  	[tilespmem:s0+$0xE160] =	vst v6;
	v6 =	vld [tilespmem:s0+$0x3250];
	v2 =	vmul.f32 $1.131370830e+01, v2  }
0x33: {  	v3 =	vmul.f32 $1.131370830e+01, v3;
	[tilespmem:s0+$0xFD00] =	vst v0;
	v0 =	vld [tilespmem:s0+$0x3270]  }
0x34: {  	v4 =	vmul.f32 $1.131370830e+01, v4;
	[tilespmem:s0+$0xFD10] =	vst v2;
	v2 =	vld [tilespmem:s0+$0x4B00]  }
0x35: {  	v5 =	vmul.f32 $1.131370830e+01, v5;
	[tilespmem:s0+$0xFD20] =	vst v3;
	v3 =	vld [tilespmem:s0+$0x4B10]  }
0x36: {  	[tilespmem:s0+$0xFD30] =	vst v4;
	v4 =	vld [tilespmem:s0+$0x4B20];
	v1 =	vmul.f32 $1.131370830e+01, v1  }
0x37: {  	v6 =	vmul.f32 $1.131370830e+01, v6;
	[tilespmem:s0+$0xFD40] =	vst v5;
	v5 =	vld [tilespmem:s0+$0x4B30]  }
0x38: {  	v0 =	vmul.f32 $1.131370830e+01, v0;
	[tilespmem:s0+$0xFD60] =	vst v1;
	v1 =	vld [tilespmem:s0+$0x4B50]  }
0x39: {  	[tilespmem:s0+$0xFD50] =	vst v6;
	v6 =	vld [tilespmem:s0+$0x4B40];
	v2 =	vmul.f32 $1.131370830e+01, v2  }
0x3a: {  	[tilespmem:s0+$0xFD70] =	vst v0;
	v0 =	vmul.f32 $1.131370830e+01, v3;
	v3 =	vld [tilespmem:s0+$0x4B70]  }
0x3b: {  	v7 =	vld [tilespmem:s0+$0x4B60];
	[tilespmem:s0+$0x11900] =	vst v2;
	v2 =	vmul.f32 $1.131370830e+01, v4  }
0x3c: {  	v4 =	vld [tilespmem:s0+$0x6400];
	[tilespmem:s0+$0x11910] =	vst v0;
	v0 =	vmul.f32 $1.131370830e+01, v5  }
0x3d: {  	v8 =	vld [tilespmem:s0+$0x6410];
	[tilespmem:s0+$0x11920] =	vst v2;
	v5 =	vmul.f32 $1.131370830e+01, v1  }
0x3e: {  	v2 =	vmul.f32 $1.131370830e+01, v6;
	[tilespmem:s0+$0x11930] =	vst v0;
	v0 =	vld [tilespmem:s0+$0x6420]  }
0x3f: {  	v1 =	vld [tilespmem:s0+$0x6430];
	[tilespmem:s0+$0x11950] =	vst v5;
	v5 =	vmul.f32 $1.131370830e+01, v3  }
0x40: {  	v6 =	vmul.f32 $1.131370830e+01, v7;
	[tilespmem:s0+$0x11940] =	vst v2;
	v2 =	vld [tilespmem:s0+$0x6440]  }
0x41: {  	v3 =	vld [tilespmem:s0+$0x6450];
	[tilespmem:s0+$0x11970] =	vst v5;
	v5 =	vmul.f32 $1.131370830e+01, v4  }
0x42: {  	s1 =	simm.s32 $0x80;
	s10 =	simm.s32 $0x400;
	[tilespmem:s0+$0x11960] =	vst v6;
	v6 =	vmul.f32 $1.131370830e+01, v8;
	v4 =	vld [tilespmem:s0+$0x6460]  }
.LBB2_3:
0x43: {  	p0 =	sne.s32 s10, $0x6200;
	v7 =	vld [tilespmem:s1+$0x6470];
	[tilespmem:s0+$0x13500] =	vst v5;
	v0 =	vmul.f32 $1.131370830e+01, v0  }
0x44: {  	v5 =	vld [tilespmem:s1+$0x1900];
	[tilespmem:s0+$0x13510] =	vst v6;
	v1 =	vmul.f32 $1.131370830e+01, v1  }
0x45: {  	v6 =	vld [tilespmem:s1+$0x1910];
	[tilespmem:s0+$0x13520] =	vst v0;
	v0 =	vmul.f32 $1.131370830e+01, v2  }
0x46: {  	v2 =	vld [tilespmem:s1+$0x1920];
	[tilespmem:s0+$0x13530] =	vst v1;
	v1 =	vmul.f32 $1.131370830e+01, v3  }
0x47: {  	v3 =	vld [tilespmem:s1+$0x1930];
	[tilespmem:s0+$0x13540] =	vst v0;
	v0 =	vmul.f32 $1.131370830e+01, v4  }
0x48: {  	v4 =	vld [tilespmem:s1+$0x1940];
	v7 =	vmul.f32 $1.131370830e+01, v7;
	[tilespmem:s0+$0x13550] =	vst v1  }
0x49: {  	v1 =	vmul.f32 $1.131370830e+01, v5;
	v5 =	vld [tilespmem:s1+$0x1950];
	[tilespmem:s0+$0x13560] =	vst v0;
	s0 =	smov.u32 s1  }
0x4a: {  	v0 =	vmul.f32 $1.131370830e+01, v6;
	v6 =	vld [tilespmem:s0+$0x1960];
	[tilespmem:s0+$0x13570] =	vst v7  }
0x4b: {  	[tilespmem:s0+$0xE100] =	vst v1;
	v1 =	vmul.f32 $1.131370830e+01, v2;
	v2 =	vld [tilespmem:s0+$0x1970]  }
0x4c: {  	[tilespmem:s0+$0xE110] =	vst v0;
	v0 =	vmul.f32 $1.131370830e+01, v3;
	v3 =	vld [tilespmem:s0+$0x3200]  }
0x4d: {  	[tilespmem:s0+$0xE120] =	vst v1;
	v1 =	vmul.f32 $1.131370830e+01, v4;
	v4 =	vld [tilespmem:s0+$0x3210]  }
0x4e: {  	[tilespmem:s0+$0xE130] =	vst v0;
	v0 =	vmul.f32 $1.131370830e+01, v5;
	v5 =	vld [tilespmem:s0+$0x3220]  }
0x4f: {  	[tilespmem:s0+$0xE140] =	vst v1;
	v1 =	vmul.f32 $1.131370830e+01, v6;
	v6 =	vld [tilespmem:s0+$0x3230]  }
0x50: {  	[tilespmem:s0+$0xE150] =	vst v0;
	v0 =	vmul.f32 $1.131370830e+01, v2;
	v2 =	vld [tilespmem:s0+$0x3240]  }
0x51: {  	[tilespmem:s0+$0xE160] =	vst v1;
	v1 =	vmul.f32 $1.131370830e+01, v3;
	v3 =	vld [tilespmem:s0+$0x3250]  }
0x52: {  	[tilespmem:s0+$0xE170] =	vst v0;
	v0 =	vmul.f32 $1.131370830e+01, v4;
	v4 =	vld [tilespmem:s0+$0x3260]  }
0x53: {  	[tilespmem:s0+$0xFD00] =	vst v1;
	v1 =	vmul.f32 $1.131370830e+01, v5;
	v5 =	vld [tilespmem:s0+$0x3270]  }
0x54: {  	[tilespmem:s0+$0xFD10] =	vst v0;
	v0 =	vmul.f32 $1.131370830e+01, v6;
	v6 =	vld [tilespmem:s0+$0x4B00]  }
0x55: {  	[tilespmem:s0+$0xFD20] =	vst v1;
	v1 =	vmul.f32 $1.131370830e+01, v2;
	v2 =	vld [tilespmem:s0+$0x4B10]  }
0x56: {  	[tilespmem:s0+$0xFD30] =	vst v0;
	v0 =	vmul.f32 $1.131370830e+01, v3;
	v3 =	vld [tilespmem:s0+$0x4B20]  }
0x57: {  	[tilespmem:s0+$0xFD40] =	vst v1;
	v1 =	vmul.f32 $1.131370830e+01, v4;
	v4 =	vld [tilespmem:s0+$0x4B30]  }
0x58: {  	[tilespmem:s0+$0xFD50] =	vst v0;
	v0 =	vmul.f32 $1.131370830e+01, v5;
	v5 =	vld [tilespmem:s0+$0x4B40]  }
0x59: {  	[tilespmem:s0+$0xFD60] =	vst v1;
	v1 =	vmul.f32 $1.131370830e+01, v6;
	v6 =	vld [tilespmem:s0+$0x4B50]  }
0x5a: {  	[tilespmem:s0+$0xFD70] =	vst v0;
	v0 =	vmul.f32 $1.131370830e+01, v2;
	v2 =	vld [tilespmem:s0+$0x4B60]  }
0x5b: {  	[tilespmem:s0+$0x11900] =	vst v1;
	v1 =	vmul.f32 $1.131370830e+01, v3;
	v3 =	vld [tilespmem:s0+$0x4B70]  }
0x5c: {  	[tilespmem:s0+$0x11910] =	vst v0;
	v0 =	vmul.f32 $1.131370830e+01, v4;
	v4 =	vld [tilespmem:s0+$0x6400]  }
0x5d: {  	[tilespmem:s0+$0x11920] =	vst v1;
	v1 =	vmul.f32 $1.131370830e+01, v5;
	v7 =	vld [tilespmem:s0+$0x6410]  }
.Ltmp0:
0x5e: {  	[tilespmem:s0+$0x11930] =	vst v0;
	v5 =	vmul.f32 $1.131370830e+01, v6;
	v0 =	vld [tilespmem:s0+$0x6420];
	(pc) =	sbr.rel @p0 .LBB2_3-.Ltmp0, $4  }
0x5f: {  	[tilespmem:s0+$0x11940] =	vst v1;
	v6 =	vmul.f32 $1.131370830e+01, v2;
	v1 =	vld [tilespmem:s0+$0x6430]  }
0x60: {  	[tilespmem:s0+$0x11950] =	vst v5;
	v8 =	vmul.f32 $1.131370830e+01, v3;
	v2 =	vld [tilespmem:s0+$0x6440]  }
0x61: {  	[tilespmem:s0+$0x11960] =	vst v6;
	v5 =	vmul.f32 $1.131370830e+01, v4;
	v3 =	vld [tilespmem:s0+$0x6450]  }
0x62: {  	s1 =	sshra.s32 s10, $0x2;
	s10 =	sadd.s32 $0x200, s10;
	[tilespmem:s0+$0x11970] =	vst v8;
	v6 =	vmul.f32 $1.131370830e+01, v7;
	v4 =	vld [tilespmem:s0+$0x6460]  }
0x63: {  	v7 =	vld [tilespmem:s1+$0x6470];
	[tilespmem:s0+$0x13500] =	vst v5;
	v0 =	vmul.f32 $1.131370830e+01, v0  }
0x64: {  	v5 =	vld [tilespmem:s1+$0x1900];
	[tilespmem:s0+$0x13510] =	vst v6;
	v1 =	vmul.f32 $1.131370830e+01, v1  }
0x65: {  	v6 =	vld [tilespmem:s1+$0x1910];
	[tilespmem:s0+$0x13520] =	vst v0;
	v2 =	vmul.f32 $1.131370830e+01, v2  }
0x66: {  	v0 =	vld [tilespmem:s1+$0x1920];
	[tilespmem:s0+$0x13530] =	vst v1;
	v3 =	vmul.f32 $1.131370830e+01, v3  }
0x67: {  	v1 =	vld [tilespmem:s1+$0x1930];
	[tilespmem:s0+$0x13540] =	vst v2;
	v4 =	vmul.f32 $1.131370830e+01, v4  }
0x68: {  	v2 =	vld [tilespmem:s1+$0x1940];
	[tilespmem:s0+$0x13550] =	vst v3;
	v7 =	vmul.f32 $1.131370830e+01, v7  }
0x69: {  	v3 =	vld [tilespmem:s1+$0x1950];
	[tilespmem:s0+$0x13560] =	vst v4;
	v4 =	vmul.f32 $1.131370830e+01, v5  }
0x6a: {  	v5 =	vld [tilespmem:s1+$0x1960];
	[tilespmem:s1+$0x13570] =	vst v7;
	v6 =	vmul.f32 $1.131370830e+01, v6  }
0x6b: {  	[tilespmem:s1+$0xE100] =	vst v4;
	v4 =	vld [tilespmem:s1+$0x1970];
	v0 =	vmul.f32 $1.131370830e+01, v0  }
0x6c: {  	[tilespmem:s1+$0xE110] =	vst v6;
	v6 =	vld [tilespmem:s1+$0x3200];
	v1 =	vmul.f32 $1.131370830e+01, v1  }
0x6d: {  	[tilespmem:s1+$0xE120] =	vst v0;
	v0 =	vld [tilespmem:s1+$0x3210];
	v2 =	vmul.f32 $1.131370830e+01, v2  }
0x6e: {  	[tilespmem:s1+$0xE130] =	vst v1;
	v1 =	vld [tilespmem:s1+$0x3220];
	v3 =	vmul.f32 $1.131370830e+01, v3  }
0x6f: {  	[tilespmem:s1+$0xE140] =	vst v2;
	v2 =	vld [tilespmem:s1+$0x3230];
	v5 =	vmul.f32 $1.131370830e+01, v5  }
0x70: {  	[tilespmem:s1+$0xE150] =	vst v3;
	v3 =	vld [tilespmem:s1+$0x3240];
	v4 =	vmul.f32 $1.131370830e+01, v4  }
0x71: {  	[tilespmem:s1+$0xE160] =	vst v5;
	v5 =	vld [tilespmem:s1+$0x3250];
	v6 =	vmul.f32 $1.131370830e+01, v6  }
0x72: {  	[tilespmem:s1+$0xE170] =	vst v4;
	v4 =	vld [tilespmem:s1+$0x3260];
	v0 =	vmul.f32 $1.131370830e+01, v0  }
0x73: {  	[tilespmem:s1+$0xFD00] =	vst v6;
	v6 =	vld [tilespmem:s1+$0x3270];
	v1 =	vmul.f32 $1.131370830e+01, v1  }
0x74: {  	[tilespmem:s1+$0xFD10] =	vst v0;
	v0 =	vld [tilespmem:s1+$0x4B00];
	v2 =	vmul.f32 $1.131370830e+01, v2  }
0x75: {  	[tilespmem:s1+$0xFD20] =	vst v1;
	v1 =	vld [tilespmem:s1+$0x4B10];
	v3 =	vmul.f32 $1.131370830e+01, v3  }
0x76: {  	[tilespmem:s1+$0xFD30] =	vst v2;
	v2 =	vld [tilespmem:s1+$0x4B20];
	v5 =	vmul.f32 $1.131370830e+01, v5  }
0x77: {  	[tilespmem:s1+$0xFD40] =	vst v3;
	v3 =	vld [tilespmem:s1+$0x4B30];
	v4 =	vmul.f32 $1.131370830e+01, v4  }
0x78: {  	[tilespmem:s1+$0xFD50] =	vst v5;
	v5 =	vld [tilespmem:s1+$0x4B40];
	v6 =	vmul.f32 $1.131370830e+01, v6  }
0x79: {  	[tilespmem:s1+$0xFD60] =	vst v4;
	v4 =	vld [tilespmem:s1+$0x4B50];
	v0 =	vmul.f32 $1.131370830e+01, v0  }
0x7a: {  	[tilespmem:s1+$0xFD70] =	vst v6;
	v6 =	vld [tilespmem:s1+$0x4B60];
	v1 =	vmul.f32 $1.131370830e+01, v1  }
0x7b: {  	[tilespmem:s1+$0x11900] =	vst v0;
	v0 =	vld [tilespmem:s1+$0x4B70];
	v2 =	vmul.f32 $1.131370830e+01, v2  }
0x7c: {  	[tilespmem:s1+$0x11910] =	vst v1;
	v1 =	vld [tilespmem:s1+$0x6400];
	v3 =	vmul.f32 $1.131370830e+01, v3  }
0x7d: {  	[tilespmem:s1+$0x11920] =	vst v2;
	v2 =	vld [tilespmem:s1+$0x6410];
	v5 =	vmul.f32 $1.131370830e+01, v5  }
0x7e: {  	[tilespmem:s1+$0x11930] =	vst v3;
	v3 =	vld [tilespmem:s1+$0x6420];
	v4 =	vmul.f32 $1.131370830e+01, v4  }
0x7f: {  	[tilespmem:s1+$0x11940] =	vst v5;
	v5 =	vld [tilespmem:s1+$0x6430];
	v6 =	vmul.f32 $1.131370830e+01, v6  }
0x80: {  	[tilespmem:s1+$0x11950] =	vst v4;
	v4 =	vld [tilespmem:s1+$0x6440];
	v0 =	vmul.f32 $1.131370830e+01, v0  }
0x81: {  	[tilespmem:s1+$0x11960] =	vst v6;
	v6 =	vld [tilespmem:s1+$0x6450];
	v1 =	vmul.f32 $1.131370830e+01, v1  }
0x82: {  	[tilespmem:s1+$0x11970] =	vst v0;
	v0 =	vmul.f32 $1.131370830e+01, v2;
	v2 =	vld [tilespmem:s1+$0x6460]  }
0x83: {  	[tilespmem:s1+$0x13500] =	vst v1;
	v1 =	vmul.f32 $1.131370830e+01, v3  }
0x84: {  	[tilespmem:s1+$0x13510] =	vst v0;
	v0 =	vmul.f32 $1.131370830e+01, v5  }
0x85: {  	p0 =	seq.s32 s31, $0xF;
	[tilespmem:s1+$0x13520] =	vst v1;
	v1 =	vmul.f32 $1.131370830e+01, v4  }
0x86: {  	s0 =	smul.u32 @!p0 $0x640, s31;
	[tilespmem:s1+$0x13530] =	vst v0;
	v0 =	vmul.f32 $1.131370830e+01, v6  }
0x87: {  	[tilespmem:s1+$0x13540] =	vst v1;
	v1 =	vmul.f32 $1.131370830e+01, v2  }
0x88: {  	s0 =	sshra.s32 @!p0 s0, $0x2;
	[tilespmem:s1+$0x13550] =	vst v0  }
0x89: {  	s10 =	simm.s32 @!p0 $0x80;
	s12 =	simm.s32 @!p0 $0x1900;
	[tilespmem:s1+$0x13560] =	vst v1;
	s1 =	sadd.s32 @!p0 $0x190, s0  }
0x8a: {  	[tilespmem:s12], [sflag:$0x1] =	stream.indirect.gather @!p0 [hbm4b:s2+s10], $0x80, s1, s10, $0xb8;
	[tilespmem:$0x1C100] =	vst v63  }
0x8b: {  	s1 =	sshll.u32 s31, $0x3  }
0x8c: {  	s13 =	simm.s32 @!p0 $0x48;
	s12 =	sadd.s32 s5, s1  }
0x8d: {  	s14 =	simm.s32 @!p0 $0x5900;
	s10 =	sadd.s32 @!p0 $0x210, s0;
	s12 =	smul.u32 $0x380, s12  }
0x8e: {  	[tilespmem:s14], [sflag:$0x1] =	stream.indirect.gather @!p0 [hbm4b:s2+s13], $0x80, s10, s13, $0xb8;
	[tilespmem:$0x1C100] =	vst v63  }
0x8f: {  	s13 =	sadd.s32 s4, s12  }
0x90: {  	[hbm4b:s13+s3] =	stream.linear.scatter [tilespmem:s18], [sflag:$0x3], $0x1900, $0x38;
	[tilespmem:$0x1C100] =	vst v63  }
0x91: {  	s12 =	sadd.s32 $0x380, s13  }
0x92: {  	[hbm4b:s12+s3] =	stream.linear.scatter [tilespmem:s19], [sflag:$0x3], $0x1900, $0x38;
	[tilespmem:$0x1C100] =	vst v63  }
0x93: {  	s14 =	sadd.s32 $0x700, s13  }
0x94: {  	[hbm4b:s14+s3] =	stream.linear.scatter [tilespmem:s20], [sflag:$0x3], $0x1900, $0x38;
	[tilespmem:$0x1C100] =	vst v63  }
0x95: {  	s10 =	sadd.s32 $0xA80, s13  }
0x96: {  	[hbm4b:s10+s3] =	stream.linear.scatter [tilespmem:s21], [sflag:$0x3], $0x1900, $0x38;
	[tilespmem:$0x1C100] =	vst v63  }
0x97: {  	_ =	swait.ge [sflag:s22], $0x4000  }
0x98: {  	[sflag:s22] =	ssyncset.done $0x0  }
0x99: {  	[sflag:s22] =	ssyncadd.s32 $0xFFFFC000  }
0x9a: {  	_ =	swait.ge [sflag:s22], $0x2400  }
0x9b: {  	[sflag:s22] =	ssyncset.done $0x0  }
0x9c: {  	s10 =	simm.s32 @!p1 $0x4;
	[sflag:s22] =	ssyncadd.s32 $0xFFFFDC00  }
0x9d: {  	_ =	swait.ge @!p1 [sflag:s10], $0x6400  }
0x9e: {  	[sflag:s10] =	ssyncset.done @!p1 $0x0  }
0x9f: {  	[sflag:s10] =	ssyncadd.s32 @!p1 $0xFFFF9C00;
	s10 =	simm.s32 $0x0  }
0xa0: {  	v0 =	vld [tilespmem:s10+$0xC870]  }
0xa1: {  	v1 =	vld [tilespmem:s10+$0x7D00];
	_ =	sdelay $0x1  }
0xa2: {  	v2 =	vld [tilespmem:s10+$0x7D10]  }
0xa3: {  	v3 =	vld [tilespmem:s10+$0x7D20]  }
0xa4: {  	v4 =	vld [tilespmem:s10+$0x7D30];
	v0 =	vmul.f32 $1.131370830e+01, v0  }
0xa5: {  	v5 =	vld [tilespmem:s10+$0x7D40];
	v1 =	vmul.f32 $1.131370830e+01, v1  }
0xa6: {  	v6 =	vld [tilespmem:s10+$0x7D50];
	[tilespmem:s10+$0x1A570] =	vst v0  }
0xa7: {  	v0 =	vmul.f32 $1.131370830e+01, v2;
	[tilespmem:s10+$0x15100] =	vst v1;
	v1 =	vld [tilespmem:s10+$0x7D70]  }
0xa8: {  	v7 =	vld [tilespmem:s10+$0x7D60];
	v2 =	vmul.f32 $1.131370830e+01, v3  }
0xa9: {  	v3 =	vmul.f32 $1.131370830e+01, v4;
	[tilespmem:s10+$0x15110] =	vst v0;
	v0 =	vld [tilespmem:s10+$0x9600]  }
0xaa: {  	v4 =	vmul.f32 $1.131370830e+01, v5;
	[tilespmem:s10+$0x15120] =	vst v2;
	v2 =	vld [tilespmem:s10+$0x9610]  }
0xab: {  	v5 =	vmul.f32 $1.131370830e+01, v6;
	[tilespmem:s10+$0x15130] =	vst v3;
	v3 =	vld [tilespmem:s10+$0x9620]  }
0xac: {  	[tilespmem:s10+$0x15140] =	vst v4;
	v4 =	vld [tilespmem:s10+$0x9630];
	v1 =	vmul.f32 $1.131370830e+01, v1  }
0xad: {  	v6 =	vmul.f32 $1.131370830e+01, v7;
	[tilespmem:s10+$0x15150] =	vst v5;
	v5 =	vld [tilespmem:s10+$0x9640]  }
0xae: {  	v0 =	vmul.f32 $1.131370830e+01, v0;
	[tilespmem:s10+$0x15170] =	vst v1;
	v1 =	vld [tilespmem:s10+$0x9660]  }
0xaf: {  	[tilespmem:s10+$0x15160] =	vst v6;
	v6 =	vld [tilespmem:s10+$0x9650];
	v2 =	vmul.f32 $1.131370830e+01, v2  }
0xb0: {  	v3 =	vmul.f32 $1.131370830e+01, v3;
	[tilespmem:s10+$0x16D00] =	vst v0;
	v0 =	vld [tilespmem:s10+$0x9670]  }
0xb1: {  	v4 =	vmul.f32 $1.131370830e+01, v4;
	[tilespmem:s10+$0x16D10] =	vst v2;
	v2 =	vld [tilespmem:s10+$0xAF00]  }
0xb2: {  	v5 =	vmul.f32 $1.131370830e+01, v5;
	[tilespmem:s10+$0x16D20] =	vst v3;
	v3 =	vld [tilespmem:s10+$0xAF10]  }
0xb3: {  	[tilespmem:s10+$0x16D30] =	vst v4;
	v4 =	vld [tilespmem:s10+$0xAF20];
	v1 =	vmul.f32 $1.131370830e+01, v1  }
0xb4: {  	v6 =	vmul.f32 $1.131370830e+01, v6;
	[tilespmem:s10+$0x16D40] =	vst v5;
	v5 =	vld [tilespmem:s10+$0xAF30]  }
0xb5: {  	v0 =	vmul.f32 $1.131370830e+01, v0;
	[tilespmem:s10+$0x16D60] =	vst v1;
	v1 =	vld [tilespmem:s10+$0xAF50]  }
0xb6: {  	[tilespmem:s10+$0x16D50] =	vst v6;
	v6 =	vld [tilespmem:s10+$0xAF40];
	v2 =	vmul.f32 $1.131370830e+01, v2  }
0xb7: {  	[tilespmem:s10+$0x16D70] =	vst v0;
	v0 =	vmul.f32 $1.131370830e+01, v3;
	v3 =	vld [tilespmem:s10+$0xAF70]  }
0xb8: {  	v7 =	vld [tilespmem:s10+$0xAF60];
	[tilespmem:s10+$0x18900] =	vst v2;
	v2 =	vmul.f32 $1.131370830e+01, v4  }
0xb9: {  	v4 =	vld [tilespmem:s10+$0xC800];
	[tilespmem:s10+$0x18910] =	vst v0;
	v0 =	vmul.f32 $1.131370830e+01, v5  }
0xba: {  	v8 =	vld [tilespmem:s10+$0xC810];
	[tilespmem:s10+$0x18920] =	vst v2;
	v5 =	vmul.f32 $1.131370830e+01, v1  }
0xbb: {  	v2 =	vmul.f32 $1.131370830e+01, v6;
	[tilespmem:s10+$0x18930] =	vst v0;
	v0 =	vld [tilespmem:s10+$0xC820]  }
0xbc: {  	v1 =	vld [tilespmem:s10+$0xC830];
	[tilespmem:s10+$0x18950] =	vst v5;
	v5 =	vmul.f32 $1.131370830e+01, v3  }
0xbd: {  	v6 =	vmul.f32 $1.131370830e+01, v7;
	[tilespmem:s10+$0x18940] =	vst v2;
	v2 =	vld [tilespmem:s10+$0xC840]  }
0xbe: {  	v3 =	vld [tilespmem:s10+$0xC850];
	[tilespmem:s10+$0x18970] =	vst v5;
	v5 =	vmul.f32 $1.131370830e+01, v4  }
0xbf: {  	s13 =	simm.s32 $0x400;
	s12 =	simm.s32 $0x80;
	[tilespmem:s10+$0x18960] =	vst v6;
	v6 =	vmul.f32 $1.131370830e+01, v8;
	v4 =	vld [tilespmem:s10+$0xC860]  }
.LBB2_5:
0xc0: {  	p1 =	sne.s32 s13, $0x6200;
	v7 =	vld [tilespmem:s12+$0xC870];
	[tilespmem:s10+$0x1A500] =	vst v5;
	v0 =	vmul.f32 $1.131370830e+01, v0  }
0xc1: {  	v5 =	vld [tilespmem:s12+$0x7D00];
	[tilespmem:s10+$0x1A510] =	vst v6;
	v1 =	vmul.f32 $1.131370830e+01, v1  }
0xc2: {  	v6 =	vld [tilespmem:s12+$0x7D10];
	[tilespmem:s10+$0x1A520] =	vst v0;
	v0 =	vmul.f32 $1.131370830e+01, v2  }
0xc3: {  	v2 =	vld [tilespmem:s12+$0x7D20];
	[tilespmem:s10+$0x1A530] =	vst v1;
	v1 =	vmul.f32 $1.131370830e+01, v3  }
0xc4: {  	v3 =	vld [tilespmem:s12+$0x7D30];
	[tilespmem:s10+$0x1A540] =	vst v0;
	v0 =	vmul.f32 $1.131370830e+01, v4  }
0xc5: {  	v4 =	vld [tilespmem:s12+$0x7D40];
	v7 =	vmul.f32 $1.131370830e+01, v7;
	[tilespmem:s10+$0x1A550] =	vst v1  }
0xc6: {  	v1 =	vmul.f32 $1.131370830e+01, v5;
	v5 =	vld [tilespmem:s12+$0x7D50];
	[tilespmem:s10+$0x1A560] =	vst v0;
	s10 =	smov.u32 s12  }
0xc7: {  	v0 =	vmul.f32 $1.131370830e+01, v6;
	v6 =	vld [tilespmem:s10+$0x7D60];
	[tilespmem:s10+$0x1A570] =	vst v7  }
0xc8: {  	[tilespmem:s10+$0x15100] =	vst v1;
	v1 =	vmul.f32 $1.131370830e+01, v2;
	v2 =	vld [tilespmem:s10+$0x7D70]  }
0xc9: {  	[tilespmem:s10+$0x15110] =	vst v0;
	v0 =	vmul.f32 $1.131370830e+01, v3;
	v3 =	vld [tilespmem:s10+$0x9600]  }
0xca: {  	[tilespmem:s10+$0x15120] =	vst v1;
	v1 =	vmul.f32 $1.131370830e+01, v4;
	v4 =	vld [tilespmem:s10+$0x9610]  }
0xcb: {  	[tilespmem:s10+$0x15130] =	vst v0;
	v0 =	vmul.f32 $1.131370830e+01, v5;
	v5 =	vld [tilespmem:s10+$0x9620]  }
0xcc: {  	[tilespmem:s10+$0x15140] =	vst v1;
	v1 =	vmul.f32 $1.131370830e+01, v6;
	v6 =	vld [tilespmem:s10+$0x9630]  }
0xcd: {  	[tilespmem:s10+$0x15150] =	vst v0;
	v0 =	vmul.f32 $1.131370830e+01, v2;
	v2 =	vld [tilespmem:s10+$0x9640]  }
0xce: {  	[tilespmem:s10+$0x15160] =	vst v1;
	v1 =	vmul.f32 $1.131370830e+01, v3;
	v3 =	vld [tilespmem:s10+$0x9650]  }
0xcf: {  	[tilespmem:s10+$0x15170] =	vst v0;
	v0 =	vmul.f32 $1.131370830e+01, v4;
	v4 =	vld [tilespmem:s10+$0x9660]  }
0xd0: {  	[tilespmem:s10+$0x16D00] =	vst v1;
	v1 =	vmul.f32 $1.131370830e+01, v5;
	v5 =	vld [tilespmem:s10+$0x9670]  }
0xd1: {  	[tilespmem:s10+$0x16D10] =	vst v0;
	v0 =	vmul.f32 $1.131370830e+01, v6;
	v6 =	vld [tilespmem:s10+$0xAF00]  }
0xd2: {  	[tilespmem:s10+$0x16D20] =	vst v1;
	v1 =	vmul.f32 $1.131370830e+01, v2;
	v2 =	vld [tilespmem:s10+$0xAF10]  }
0xd3: {  	[tilespmem:s10+$0x16D30] =	vst v0;
	v0 =	vmul.f32 $1.131370830e+01, v3;
	v3 =	vld [tilespmem:s10+$0xAF20]  }
0xd4: {  	[tilespmem:s10+$0x16D40] =	vst v1;
	v1 =	vmul.f32 $1.131370830e+01, v4;
	v4 =	vld [tilespmem:s10+$0xAF30]  }
0xd5: {  	[tilespmem:s10+$0x16D50] =	vst v0;
	v0 =	vmul.f32 $1.131370830e+01, v5;
	v5 =	vld [tilespmem:s10+$0xAF40]  }
0xd6: {  	[tilespmem:s10+$0x16D60] =	vst v1;
	v1 =	vmul.f32 $1.131370830e+01, v6;
	v6 =	vld [tilespmem:s10+$0xAF50]  }
0xd7: {  	[tilespmem:s10+$0x16D70] =	vst v0;
	v0 =	vmul.f32 $1.131370830e+01, v2;
	v2 =	vld [tilespmem:s10+$0xAF60]  }
0xd8: {  	[tilespmem:s10+$0x18900] =	vst v1;
	v1 =	vmul.f32 $1.131370830e+01, v3;
	v3 =	vld [tilespmem:s10+$0xAF70]  }
0xd9: {  	[tilespmem:s10+$0x18910] =	vst v0;
	v0 =	vmul.f32 $1.131370830e+01, v4;
	v4 =	vld [tilespmem:s10+$0xC800]  }
0xda: {  	[tilespmem:s10+$0x18920] =	vst v1;
	v1 =	vmul.f32 $1.131370830e+01, v5;
	v7 =	vld [tilespmem:s10+$0xC810]  }
.Ltmp1:
0xdb: {  	[tilespmem:s10+$0x18930] =	vst v0;
	v5 =	vmul.f32 $1.131370830e+01, v6;
	v0 =	vld [tilespmem:s10+$0xC820];
	(pc) =	sbr.rel @p1 .LBB2_5-.Ltmp1, $4  }
0xdc: {  	[tilespmem:s10+$0x18940] =	vst v1;
	v6 =	vmul.f32 $1.131370830e+01, v2;
	v1 =	vld [tilespmem:s10+$0xC830]  }
0xdd: {  	[tilespmem:s10+$0x18950] =	vst v5;
	v8 =	vmul.f32 $1.131370830e+01, v3;
	v2 =	vld [tilespmem:s10+$0xC840]  }
0xde: {  	[tilespmem:s10+$0x18960] =	vst v6;
	v5 =	vmul.f32 $1.131370830e+01, v4;
	v3 =	vld [tilespmem:s10+$0xC850]  }
0xdf: {  	s12 =	sshra.s32 s13, $0x2;
	s13 =	sadd.s32 $0x200, s13;
	[tilespmem:s10+$0x18970] =	vst v8;
	v6 =	vmul.f32 $1.131370830e+01, v7;
	v4 =	vld [tilespmem:s10+$0xC860]  }
0xe0: {  	v7 =	vld [tilespmem:s12+$0xC870];
	[tilespmem:s10+$0x1A500] =	vst v5;
	v0 =	vmul.f32 $1.131370830e+01, v0  }
0xe1: {  	v5 =	vld [tilespmem:s12+$0x7D00];
	[tilespmem:s10+$0x1A510] =	vst v6;
	v1 =	vmul.f32 $1.131370830e+01, v1  }
0xe2: {  	v6 =	vld [tilespmem:s12+$0x7D10];
	[tilespmem:s10+$0x1A520] =	vst v0;
	v2 =	vmul.f32 $1.131370830e+01, v2  }
0xe3: {  	v0 =	vld [tilespmem:s12+$0x7D20];
	[tilespmem:s10+$0x1A530] =	vst v1;
	v3 =	vmul.f32 $1.131370830e+01, v3  }
0xe4: {  	v1 =	vld [tilespmem:s12+$0x7D30];
	[tilespmem:s10+$0x1A540] =	vst v2;
	v4 =	vmul.f32 $1.131370830e+01, v4  }
0xe5: {  	v2 =	vld [tilespmem:s12+$0x7D40];
	[tilespmem:s10+$0x1A550] =	vst v3;
	v7 =	vmul.f32 $1.131370830e+01, v7  }
0xe6: {  	v3 =	vld [tilespmem:s12+$0x7D50];
	[tilespmem:s10+$0x1A560] =	vst v4;
	v32 =	vmul.f32 $1.131370830e+01, v5  }
0xe7: {  	v33 =	vld [tilespmem:s12+$0x7D60];
	[tilespmem:s12+$0x1A570] =	vst v7;
	v6 =	vmul.f32 $1.131370830e+01, v6  }
0xe8: {  	v34 =	vld [tilespmem:s12+$0x7D70];
	[tilespmem:s12+$0x15100] =	vst v32;
	v0 =	vmul.f32 $1.131370830e+01, v0  }
0xe9: {  	v35 =	vld [tilespmem:s12+$0x9600];
	[tilespmem:s12+$0x15110] =	vst v6;
	v1 =	vmul.f32 $1.131370830e+01, v1  }
0xea: {  	v36 =	vld [tilespmem:s12+$0x9610];
	[tilespmem:s12+$0x15120] =	vst v0;
	v2 =	vmul.f32 $1.131370830e+01, v2  }
0xeb: {  	v37 =	vld [tilespmem:s12+$0x9620];
	[tilespmem:s12+$0x15130] =	vst v1;
	v3 =	vmul.f32 $1.131370830e+01, v3  }
0xec: {  	v38 =	vld [tilespmem:s12+$0x9630];
	[tilespmem:s12+$0x15140] =	vst v2;
	v5 =	vmul.f32 $1.131370830e+01, v33  }
0xed: {  	v52 =	vld [tilespmem:s12+$0xC810];
	v4 =	vmul.f32 $1.131370830e+01, v34;
	[tilespmem:s12+$0x15150] =	vst v3  }
0xee: {  	v53 =	vld [tilespmem:s12+$0xC820];
	v6 =	vmul.f32 $1.131370830e+01, v35;
	[tilespmem:s12+$0x15160] =	vst v5  }
0xef: {  	v54 =	vld [tilespmem:s12+$0xC830];
	v0 =	vmul.f32 $1.131370830e+01, v36;
	[tilespmem:s12+$0x15170] =	vst v4  }
0xf0: {  	v55 =	vld [tilespmem:s12+$0xC840];
	v1 =	vmul.f32 $1.131370830e+01, v37;
	[tilespmem:s12+$0x16D00] =	vst v6  }
0xf1: {  	v56 =	vld [tilespmem:s12+$0xC850];
	v2 =	vmul.f32 $1.131370830e+01, v38;
	[tilespmem:s12+$0x16D10] =	vst v0  }
0xf2: {  	v58 =	vld [tilespmem:s12+$0xC860];
	v57 =	vmul.f32 $1.131370830e+01, v52;
	[tilespmem:s12+$0x16D20] =	vst v1  }
0xf3: {  	v39 =	vld [tilespmem:s12+$0x9640];
	v59 =	vmul.f32 $1.131370830e+01, v53;
	[tilespmem:s12+$0x16D30] =	vst v2  }
0xf4: {  	v40 =	vld [tilespmem:s12+$0x9650];
	v60 =	vmul.f32 $1.131370830e+01, v54;
	[tilespmem:s12+$0x1A510] =	vst v57  }
0xf5: {  	v41 =	vld [tilespmem:s12+$0x9660];
	v61 =	vmul.f32 $1.131370830e+01, v55;
	[tilespmem:s12+$0x1A520] =	vst v59  }
0xf6: {  	v42 =	vld [tilespmem:s12+$0x9670];
	v62 =	vmul.f32 $1.131370830e+01, v56;
	[tilespmem:s12+$0x1A530] =	vst v60  }
0xf7: {  	v43 =	vld [tilespmem:s12+$0xAF00];
	v63 =	vmul.f32 $1.131370830e+01, v58;
	[tilespmem:s12+$0x1A540] =	vst v61  }
0xf8: {  	v44 =	vld [tilespmem:s12+$0xAF10];
	v3 =	vmul.f32 $1.131370830e+01, v39;
	[tilespmem:s12+$0x1A550] =	vst v62  }
0xf9: {  	v45 =	vld [tilespmem:s12+$0xAF20];
	v5 =	vmul.f32 $1.131370830e+01, v40;
	[tilespmem:s12+$0x1A560] =	vst v63  }
0xfa: {  	v46 =	vld [tilespmem:s12+$0xAF30];
	v4 =	vmul.f32 $1.131370830e+01, v41;
	[tilespmem:s12+$0x16D40] =	vst v3  }
0xfb: {  	v47 =	vld [tilespmem:s12+$0xAF40];
	v6 =	vmul.f32 $1.131370830e+01, v42;
	[tilespmem:s12+$0x16D50] =	vst v5  }
0xfc: {  	v48 =	vld [tilespmem:s12+$0xAF50];
	v0 =	vmul.f32 $1.131370830e+01, v43;
	[tilespmem:s12+$0x16D60] =	vst v4  }
0xfd: {  	v49 =	vld [tilespmem:s12+$0xAF60];
	v1 =	vmul.f32 $1.131370830e+01, v44;
	[tilespmem:s12+$0x16D70] =	vst v6  }
0xfe: {  	v50 =	vld [tilespmem:s12+$0xAF70];
	v2 =	vmul.f32 $1.131370830e+01, v45;
	[tilespmem:s12+$0x18900] =	vst v0  }
0xff: {  	v51 =	vld [tilespmem:s12+$0xC800];
	v3 =	vmul.f32 $1.131370830e+01, v46;
	[tilespmem:s12+$0x18910] =	vst v1  }
0x100: {  	[tilespmem:s12+$0x18920] =	vst v2;
	v5 =	vmul.f32 $1.131370830e+01, v47  }
0x101: {  	v4 =	vmul.f32 $1.131370830e+01, v48;
	[tilespmem:s12+$0x18930] =	vst v3  }
0x102: {  	v6 =	vmul.f32 $1.131370830e+01, v49;
	[tilespmem:s12+$0x18940] =	vst v5  }
0x103: {  	v0 =	vmul.f32 $1.131370830e+01, v50;
	[tilespmem:s12+$0x18950] =	vst v4  }
0x104: {  	v1 =	vmul.f32 $1.131370830e+01, v51;
	[tilespmem:s12+$0x18960] =	vst v6  }
0x105: {  	s13 =	simm.s32 @!p0 $0x7D00;
	s1 =	sadd.s32 s1, s5;
	[tilespmem:s12+$0x18970] =	vst v0  }
0x106: {  	s1 =	smul.u32 $0x380, s1;
	s10 =	sadd.s32 @!p0 $0x258, s0;
	[tilespmem:s12+$0x1A500] =	vst v1;
	s12 =	simm.s32 @!p0 $0x80  }
0x107: {  	[tilespmem:s13], [sflag:$0x2] =	stream.indirect.gather @!p0 [hbm4b:s2+s12], $0x80, s10, s12, $0xb8;
	[tilespmem:$0x1C100] =	vst v63  }
0x108: {  	s0 =	sadd.s32 @!p0 $0x2D8, s0;
	s10 =	simm.s32 @!p0 $0x48;
	s12 =	simm.s32 @!p0 $0xBD00  }
0x109: {  	[tilespmem:s12], [sflag:$0x2] =	stream.indirect.gather @!p0 [hbm4b:s2+s10], $0x80, s0, s10, $0xb8;
	[tilespmem:$0x1C100] =	vst v63  }
0x10a: {  	s12 =	sadd.s32 s4, s1  }
0x10b: {  	s31 =	sadd.s32 $0x1, s31;
	s1 =	sadd.s32 $0xE00, s12  }
0x10c: {  	[hbm4b:s1+s3] =	stream.linear.scatter [tilespmem:s23], [sflag:$0x4], $0x1900, $0x38;
	[tilespmem:$0x1C100] =	vst v63  }
0x10d: {  	p0 =	sne.s32 s31, $0x10;
	s13 =	sadd.s32 $0x1180, s12  }
0x10e: {  	[hbm4b:s13+s3] =	stream.linear.scatter [tilespmem:s24], [sflag:$0x4], $0x1900, $0x38;
	[tilespmem:$0x1C100] =	vst v63  }
.Ltmp2:
0x10f: {  	_ = 	snop;
	(pc) =	sbr.rel @p0 .LBB2_2-.Ltmp2, $4  }
0x110: {  	s14 =	sadd.s32 $0x1500, s12  }
0x111: {  	[hbm4b:s14+s3] =	stream.linear.scatter [tilespmem:s25], [sflag:$0x4], $0x1900, $0x38;
	[tilespmem:$0x1C100] =	vst v63  }
0x112: {  	s0 =	sadd.s32 $0x1880, s12  }
0x113: {  	[hbm4b:s0+s3] =	stream.linear.scatter [tilespmem:s26], [sflag:$0x4], $0x1900, $0x38;
	[tilespmem:$0x1C100] =	vst v63  }
0x114: {  	s30 =	sadd.s32 $0x1, s30  }
0x115: {  	_ =	swait.ge [sflag:s28], $0x6400;
	p0 =	sne.s32 s30, s7  }
.Ltmp3:
0x116: {  	[sflag:s28] =	ssyncset.done $0x0;
	(pc) =	sbr.rel @p0 .LBB2_1-.Ltmp3, $4  }
0x117: {  	[sflag:s28] =	ssyncadd.s32 $0xFFFF9C00  }
0x118: {  	_ =	swait.ge [sflag:s29], $0x6400  }
0x119: {  	[sflag:s29] =	ssyncset.done $0x0  }
0x11a: {  	[sflag:s29] =	ssyncadd.s32 $0xFFFF9C00  }
0x11b: {  	_ =	sfence.sel $0x180000  }
0x11c: {  	[bflag:$0x0] =	sbarrier.arrive $0xFFFF  }
0x11d: {  	_ =	strace $0x90000047  }
0x11e: {  	s0 =	stileid.u32;
	[bflag:$0x2] =	sbarrier.arrive $0xFFFF  }
0x11f: {  	p0 =	sne.s32 s0, $0x0;
	s0 =	rddreg [dreg:$0x3]  }
0x120: {  	s0 =	sadd.s32 @!p0 $0x100000, s0  }
0x121: {  	[sflag:s0] =	ssyncadd.tile.s32 @!p0 $0x1;
	_ =	shalt  }
.Lfunc_end2:
_tile_overlayer_lowered:
.L_overlay_start_2:
0x122: {  	(tag) =	ssettag $0x2  }
0x123: {  	s0 =	rddreg [dreg:$0x0];
	s2 =	stileid.u32  }
0x124: {  	s1 =	rddreg [dreg:$0x1];
	p0 =	sne.s32 s2, $0x0  }
0x125: {  	s3 =	rddreg [dreg:$0x2];
	[bflag:$0x3] =	sbarrier.arrive $0xFFFF;
	s2 =	simm.s32 @!p0 $0x1C05  }
0x126: {  	[timem:s3], [sflag:s2] =	dma.local @!p0 [hbm:s0], s1  }
0x127: {  	s0 =	simm.s32 @!p0 $0x5  }
0x128: {  	_ =	swait.ge @!p0 [sflag:s0], s1  }
0x129: {  	s1 =	ssub.s32 @!p0 $0x0, s1;
	[sflag:s0] =	ssyncset.done @!p0 $0x0  }
0x12a: {  	[sflag:s0] =	ssyncadd.s32 @!p0 s1  }
0x12b: {  	[bflag:$0x3] =	sbarrier.arrive $0xFFFF  }
0x12c: {  	_ =	shalt  }

</sc_bundles>
